<compile_context>
chip_gen: v7x
topology: tpu7x:2x2x1
jax: 0.10.2.dev20260603
libtpu: 0.0.44.dev20260713+nightly
codegen_flags: <defaults>
</compile_context>

<pallas_src>
import jax
import jax.numpy as jnp
from jax import lax
from jax.experimental import pallas as pl
from jax.experimental.pallas import tpu as pltpu, tpu_sc as plsc

SEQ = 2048
ROWLEN = SEQ + 2
B = 4096
NC, NS, L = 2, 16, 16
NW = NC * NS
NW_ACT = 16
BCOLS = B // NW_ACT
NG = BCOLS // L
SPLIT = 2048
CS = 128
NCHK = SPLIT // CS
COCT = CS // 8
NST = 5
SB = 256
NST_TC = (SEQ - SPLIT) // SB
BT = 1024
NBT = B // BT


def _sc_body(x_hbm, p1_hbm, p2_hbm, r_hbm, buf, thbuf, stbuf, o1buf, o2buf, o3buf, sem):
    w_all = lax.axis_index("s") * NC + lax.axis_index("c")

    @pl.when(w_all < NW_ACT)
    def _guarded():
        _sc_work(w_all, x_hbm, p1_hbm, p2_hbm, r_hbm, buf, thbuf, stbuf, o1buf, o2buf, o3buf, sem)


def _sc_work(w, x_hbm, p1_hbm, p2_hbm, r_hbm, buf, thbuf, stbuf, o1buf, o2buf, o3buf, sem):
    bcol0 = w * BCOLS
    lane_i = lax.iota(jnp.int32, L)
    ones = jnp.ones((L,), jnp.float32)
    zeros_i = jnp.zeros((L,), jnp.int32)

    pltpu.sync_copy(x_hbm.at[pl.ds(SEQ, 2), pl.ds(bcol0, BCOLS)], thbuf)

    def issue(c):
        par = lax.bitwise_and(c, 1)
        pltpu.async_copy(
            x_hbm.at[pl.ds(c * CS, CS), pl.ds(bcol0, BCOLS)],
            buf.at[pl.ds(par * CS, CS), :], sem)

    def wait(c):
        par = lax.bitwise_and(c, 1)
        pltpu.make_async_copy(
            x_hbm.at[pl.ds(c * CS, CS), pl.ds(bcol0, BCOLS)],
            buf.at[pl.ds(par * CS, CS), :], sem).wait()

    for k in range(NG * NST):
        stbuf[pl.ds(k * L, L)] = ones

    def process(c):
        par = lax.bitwise_and(c, 1)
        row0 = par * CS
        c_v = jnp.full((L,), 0, jnp.int32) + c

        def groupbody(gl, carry_none):
            colbase = gl * L + lane_i
            mp = thbuf[0, pl.ds(gl * L, L)].astype(jnp.int32)
            bid = thbuf[1, pl.ds(gl * L, L)].astype(jnp.int32)
            g1 = lax.shift_right_logical(bid, 3)
            r1 = lax.bitwise_and(bid, 7)
            g2 = lax.shift_right_logical(mp, 3)
            r2 = lax.bitwise_and(mp, 7)
            sbase = gl * NST * L
            acc1 = stbuf[pl.ds(sbase, L)]
            acc2 = stbuf[pl.ds(sbase + L, L)]

            def octet(o, accs):
                a1, a2 = accs
                s0 = o * 8
                v0 = buf[row0 + s0, pl.ds(gl * L, L)]
                v1 = buf[row0 + s0 + 1, pl.ds(gl * L, L)]
                v2 = buf[row0 + s0 + 2, pl.ds(gl * L, L)]
                v3 = buf[row0 + s0 + 3, pl.ds(gl * L, L)]
                v4 = buf[row0 + s0 + 4, pl.ds(gl * L, L)]
                v5 = buf[row0 + s0 + 5, pl.ds(gl * L, L)]
                v6 = buf[row0 + s0 + 6, pl.ds(gl * L, L)]
                v7 = buf[row0 + s0 + 7, pl.ds(gl * L, L)]
                op = ((v0 * v1) * (v2 * v3)) * ((v4 * v5) * (v6 * v7))
                go = c_v * COCT + o
                a1 = a1 * jnp.where(go < g1, op, ones)
                a2 = a2 * jnp.where(go < g2, op, ones)
                return a1, a2

            acc1, acc2 = lax.fori_loop(0, COCT, octet, (acc1, acc2))
            stbuf[pl.ds(sbase, L)] = acc1
            stbuf[pl.ds(sbase + L, L)] = acc2

            def boundary(gk, rk):
                inch = (lax.shift_right_logical(gk, 4) == c_v)
                srow = lax.bitwise_and(gk, COCT - 1) * 8
                srow = jnp.where(inch, srow, zeros_i)
                fch = ones
                for j in range(7):
                    val = plsc.load_gather(buf, [row0 + srow + j, colbase])
                    m = jnp.logical_and(inch, jnp.full((L,), j, jnp.int32) < rk)
                    fch = fch * jnp.where(m, val, ones)
                return fch

            f1 = stbuf[pl.ds(sbase + 2 * L, L)] * boundary(g1, r1)
            f2 = stbuf[pl.ds(sbase + 3 * L, L)] * boundary(g2, r2)
            stbuf[pl.ds(sbase + 2 * L, L)] = f1
            stbuf[pl.ds(sbase + 3 * L, L)] = f2

            inm = (lax.shift_right_logical(mp, 7) == c_v)
            mrow = jnp.where(inm, lax.bitwise_and(mp, CS - 1), zeros_i)
            mval = plsc.load_gather(buf, [row0 + mrow, colbase])
            rmp = stbuf[pl.ds(sbase + 4 * L, L)]
            stbuf[pl.ds(sbase + 4 * L, L)] = jnp.where(inm, mval, rmp)
            return carry_none

        lax.fori_loop(0, NG, groupbody, None)

    issue(0)

    def chunkbody(c, carry_none):
        wait(c)

        @pl.when(c < NCHK - 1)
        def _():
            issue(c + 1)

        process(c)
        return carry_none

    lax.fori_loop(0, NCHK, chunkbody, None)

    def final(gl, carry_none):
        sbase = gl * NST * L
        o1buf[pl.ds(gl * L, L)] = stbuf[pl.ds(sbase, L)] * stbuf[pl.ds(sbase + 2 * L, L)]
        o2buf[pl.ds(gl * L, L)] = stbuf[pl.ds(sbase + L, L)] * stbuf[pl.ds(sbase + 3 * L, L)]
        o3buf[pl.ds(gl * L, L)] = stbuf[pl.ds(sbase + 4 * L, L)]
        return carry_none

    lax.fori_loop(0, NG, final, None)
    pltpu.sync_copy(o1buf.at[pl.ds(0, BCOLS)], p1_hbm.at[pl.ds(bcol0, BCOLS)])
    pltpu.sync_copy(o2buf.at[pl.ds(0, BCOLS)], p2_hbm.at[pl.ds(bcol0, BCOLS)])
    pltpu.sync_copy(o3buf.at[pl.ds(0, BCOLS)], r_hbm.at[pl.ds(bcol0, BCOLS)])


def _tc_body(x_ref, thr_ref, p1_ref, p2_ref, r_ref):
    s = pl.program_id(1)
    x = x_ref[...]
    mp = thr_ref[0:1, :]
    bid = thr_ref[1:2, :]
    pos = (lax.broadcasted_iota(jnp.int32, (SB, BT), 0) + (SPLIT + s * SB)).astype(jnp.float32)
    one = jnp.float32(1.0)
    c1 = jnp.where(pos < bid, x, one)
    c2 = jnp.where(pos < mp, x, one)
    c3 = jnp.where(pos == mp, x, one)

    def tree(v):
        h = SB // 2
        while h >= 8:
            v = v[0:h, :] * v[h:2 * h, :]
            h //= 2
        return v

    t1, t2, t3 = tree(c1), tree(c2), tree(c3)

    @pl.when(s == 0)
    def _():
        p1_ref[...] = t1
        p2_ref[...] = t2
        r_ref[...] = t3

    @pl.when(s != 0)
    def _():
        p1_ref[...] = p1_ref[...] * t1
        p2_ref[...] = p2_ref[...] * t2
        r_ref[...] = r_ref[...] * t3

    @pl.when(s == NST_TC - 1)
    def _():
        def fold(v):
            h = 4
            while h >= 1:
                v = v[0:h, :] * v[h:2 * h, :]
                h //= 2
            return v

        p1_ref[0:1, :] = fold(p1_ref[...])
        p2_ref[0:1, :] = fold(p2_ref[...])
        r_ref[0:1, :] = fold(r_ref[...])


def _tc_call(xt):
    grid = (NBT, NST_TC)
    return pl.pallas_call(
        _tc_body,
        grid=grid,
        in_specs=[
            pl.BlockSpec((SB, BT), lambda b, s: (s + SPLIT // SB, b)),
            pl.BlockSpec((8, BT), lambda b, s: (SEQ // 8, b)),
        ],
        out_specs=[
            pl.BlockSpec((8, BT), lambda b, s: (0, b)),
            pl.BlockSpec((8, BT), lambda b, s: (0, b)),
            pl.BlockSpec((8, BT), lambda b, s: (0, b)),
        ],
        out_shape=[
            jax.ShapeDtypeStruct((8, B), jnp.float32),
            jax.ShapeDtypeStruct((8, B), jnp.float32),
            jax.ShapeDtypeStruct((8, B), jnp.float32),
        ],
    )(xt, xt)


@jax.jit
def kernel(inputs):
    xt = inputs.T
    mesh = plsc.VectorSubcoreMesh(core_axis_name="c", subcore_axis_name="s")
    sc = pl.kernel(
        _sc_body,
        out_type=(
            jax.ShapeDtypeStruct((B,), jnp.float32),
            jax.ShapeDtypeStruct((B,), jnp.float32),
            jax.ShapeDtypeStruct((B,), jnp.float32),
        ),
        mesh=mesh,
        compiler_params=pltpu.CompilerParams(
            use_tc_tiling_on_sc=True, needs_layout_passes=False, skip_device_barrier=True),
        scratch_types=[
            pltpu.VMEM((2 * CS, BCOLS), jnp.float32),
            pltpu.VMEM((2, BCOLS), jnp.float32),
            pltpu.VMEM((NG * NST * L,), jnp.float32),
            pltpu.VMEM((BCOLS,), jnp.float32),
            pltpu.VMEM((BCOLS,), jnp.float32),
            pltpu.VMEM((BCOLS,), jnp.float32),
            pltpu.SemaphoreType.DMA,
        ],
    )
    p1s, p2s, rs = sc(xt)
    out1 = p1s.reshape(B, 1)
    out2 = (p2s * (1.0 - rs)).reshape(B, 1)
    return out1, out2

# --- scband reference (transcript-rebuilt; emitter-appended) ---
"""Pipeline reference for scband-bid-prefix-1829656068135 (READ-ONLY COPY).

The authoritative reference and input builder live on the scoring server;
editing this copy changes nothing except your own understanding.
"""

import jax, jax.numpy as jnp
import numpy as np

SEQ_LEN = 2048
BATCH = 4096


def setup_inputs(seed: int = 0) -> dict:
    key = jax.random.key(seed)
    k1, k2, k3 = jax.random.split(key, 3)
    # per-step survival rates close to 1.0 so the length-2048 prefix product stays in a
    # numerically meaningful range (avoids float32 underflow to exactly 0)
    rates = jax.random.uniform(k1, (BATCH, SEQ_LEN), dtype=jnp.float32, minval=0.999, maxval=1.0)
    # market_price in [0, SEQ_LEN-2] so that market_price + 1 <= SEQ_LEN - 1 (in-range slice)
    market_price = jax.random.randint(k2, (BATCH, 1), 0, SEQ_LEN - 1).astype(jnp.float32)
    # bid in [0, SEQ_LEN-1]
    bid = jax.random.randint(k3, (BATCH, 1), 0, SEQ_LEN).astype(jnp.float32)
    inputs = jnp.concatenate([rates, market_price, bid], axis=1)  # [BATCH, SEQ_LEN + 2]
    return {"inputs": inputs}


def reference(inputs):
    # Vectorized, faithful translation of the per-row tf.map_fn(_prod_prefix):
    #   survival_rate = prod(x[0:bid])
    #   rate_last     = prod(x[0:market_price]) - prod(x[0:market_price+1])
    # Dynamic-length prefix products are realized as masked full-row products
    # (where(pos < k, x, 1)), which is mathematically identical.
    rates = inputs[:, :SEQ_LEN]                              # [B, S]
    market_price = inputs[:, SEQ_LEN].astype(jnp.int32)      # [B]
    bid = inputs[:, SEQ_LEN + 1].astype(jnp.int32)           # [B]
    pos = jnp.arange(SEQ_LEN, dtype=jnp.int32)[None, :]      # [1, S]

    survival_rate = jnp.prod(jnp.where(pos < bid[:, None], rates, 1.0), axis=1)
    rate_last_one = jnp.prod(jnp.where(pos < (market_price + 1)[:, None], rates, 1.0), axis=1)
    rate_last_two = jnp.prod(jnp.where(pos < market_price[:, None], rates, 1.0), axis=1)
    rate_last = rate_last_two - rate_last_one

    stacked = jnp.stack([survival_rate, rate_last], axis=1)  # [B, 2]
    # tf.split(x, 2, axis=1) -> two tensors of shape [B, 1]
    return (stacked[:, 0:1], stacked[:, 1:2])

if __name__ == "__main__":
    import jax
    _d = setup_inputs()
    print(jax.jit(kernel)(*tuple(_d.values())))

</pallas_src>

<mosaic_0001>
#map = affine_map<(d0, d1) -> (0, 0)>
#map1 = affine_map<(d0, d1) -> (0)>
module attributes {stable_mosaic.version = 14 : i64} {
  func.func @_sc_body(%arg0: i32, %arg1: i32, %arg2: memref<2050x4096xf32, #tpu.memory_space<hbm>>, %arg3: memref<4096xf32, #tpu.memory_space<hbm>>, %arg4: memref<4096xf32, #tpu.memory_space<hbm>>, %arg5: memref<4096xf32, #tpu.memory_space<hbm>>, %arg6: memref<256x256xf32, #tpu.memory_space<vmem>>, %arg7: memref<2x256xf32, #tpu.memory_space<vmem>>, %arg8: memref<1280xf32, #tpu.memory_space<vmem>>, %arg9: memref<256xf32, #tpu.memory_space<vmem>>, %arg10: memref<256xf32, #tpu.memory_space<vmem>>, %arg11: memref<256xf32, #tpu.memory_space<vmem>>, %arg12: memref<!tpu.dma_semaphore, #tpu.memory_space<semaphore_mem>>) attributes {dimension_semantics = [#tpu.dimension_semantics<core_parallel>, #tpu.dimension_semantics<subcore_parallel>], iteration_bounds = array<i64: 2, 16>, scalar_prefetch = 0 : i64, scratch_operands = 7 : i64, tpu.core_type = #tpu.core_type<sc_vector_subcore>, window_params = [{transform_indices = #map}, {transform_indices = #map1}, {transform_indices = #map1}, {transform_indices = #map1}]} {
    %mul3A = arith.constant 2 : i32
    %mul3A_0 = arith.muli %arg1, %mul3A : i32
    %add3A = arith.addi %mul3A_0, %arg0 : i32
    %lt3A = arith.constant 16 : i32
    %lt3A_1 = arith.cmpi slt, %add3A, %lt3A : i32
    %convert_element_type3A = arith.extui %lt3A_1 : i1 to i32
    %cond3A = arith.constant 0 : i32
    %cond3A_2 = arith.cmpi ne, %convert_element_type3A, %cond3A : i32
    scf.if %cond3A_2 {
      %mul3A_3 = arith.constant 256 : i32
      %mul3A_4 = arith.muli %add3A, %mul3A_3 : i32
      %iota3A = tpu.iota {dimensions = array<i32: 0>} : vector<16xi32>
      %broadcast_in_dim3A = arith.constant 1.000000e+00 : f32
      %broadcast_in_dim3A_5 = vector.broadcast %broadcast_in_dim3A : f32 to vector<16xf32>
      %broadcast_in_dim3A_6 = arith.constant 0 : i32
      %broadcast_in_dim3A_7 = vector.broadcast %broadcast_in_dim3A_6 : i32 to vector<16xi32>
      "tpu.region"() ({
        %run_scoped3A = tpu.sem_alloc : memref<!tpu.dma_semaphore, #tpu.memory_space<semaphore_mem>>
        %dma_start3A_187 = arith.constant 2048 : i32
        %dma_start3A_188 = tpu.memref_slice %arg2[%dma_start3A_187, %mul3A_4] : memref<2050x4096xf32, #tpu.memory_space<hbm>> -> memref<2x256xf32, #tpu.memory_space<hbm>>
        %dma_start3A_189 = arith.constant 2048 : i32
        %dma_start3A_190 = tpu.memref_slice %arg2[%dma_start3A_189, %mul3A_4] : memref<2050x4096xf32, #tpu.memory_space<hbm>> -> memref<2x256xf32, #tpu.memory_space<hbm>>
        tpu.enqueue_dma source(%dma_start3A_190 : memref<2x256xf32, #tpu.memory_space<hbm>>) target(%arg7 : memref<2x256xf32, #tpu.memory_space<vmem>>) target_semaphore(%run_scoped3A : memref<!tpu.dma_semaphore, #tpu.memory_space<semaphore_mem>>)
        %dma_wait3A = arith.constant 2048 : i32
        %dma_wait3A_191 = tpu.memref_slice %arg2[%dma_wait3A, %mul3A_4] : memref<2050x4096xf32, #tpu.memory_space<hbm>> -> memref<2x256xf32, #tpu.memory_space<hbm>>
        %dma_wait3A_192 = arith.constant 2048 : i32
        %dma_wait3A_193 = tpu.memref_slice %arg2[%dma_wait3A_192, %mul3A_4] : memref<2050x4096xf32, #tpu.memory_space<hbm>> -> memref<2x256xf32, #tpu.memory_space<hbm>>
        tpu.wait_dma2 semaphore(%run_scoped3A : memref<!tpu.dma_semaphore, #tpu.memory_space<semaphore_mem>>) src(%dma_wait3A_193 : memref<2x256xf32, #tpu.memory_space<hbm>>) dst(%arg7 : memref<2x256xf32, #tpu.memory_space<vmem>>)
        tpu.yield
      }) : () -> ()
      %swap3A = arith.constant 0 : index
      %swap3A_8 = tpu.vector_load %arg8[%swap3A] {strides = array<i32>} : memref<1280xf32, #tpu.memory_space<vmem>>, vector<16xf32>,
      tpu.vector_store %arg8[%swap3A], %broadcast_in_dim3A_5 {strides = array<i32>} : memref<1280xf32, #tpu.memory_space<vmem>>, vector<16xf32>,
      %swap3A_9 = arith.constant 16 : index
      %swap3A_10 = tpu.vector_load %arg8[%swap3A_9] {strides = array<i32>} : memref<1280xf32, #tpu.memory_space<vmem>>, vector<16xf32>,
      tpu.vector_store %arg8[%swap3A_9], %broadcast_in_dim3A_5 {strides = array<i32>} : memref<1280xf32, #tpu.memory_space<vmem>>, vector<16xf32>,
      %swap3A_11 = arith.constant 32 : index
      %swap3A_12 = tpu.vector_load %arg8[%swap3A_11] {strides = array<i32>} : memref<1280xf32, #tpu.memory_space<vmem>>, vector<16xf32>,
      tpu.vector_store %arg8[%swap3A_11], %broadcast_in_dim3A_5 {strides = array<i32>} : memref<1280xf32, #tpu.memory_space<vmem>>, vector<16xf32>,
      %swap3A_13 = arith.constant 48 : index
      %swap3A_14 = tpu.vector_load %arg8[%swap3A_13] {strides = array<i32>} : memref<1280xf32, #tpu.memory_space<vmem>>, vector<16xf32>,
      tpu.vector_store %arg8[%swap3A_13], %broadcast_in_dim3A_5 {strides = array<i32>} : memref<1280xf32, #tpu.memory_space<vmem>>, vector<16xf32>,
      %swap3A_15 = arith.constant 64 : index
      %swap3A_16 = tpu.vector_load %arg8[%swap3A_15] {strides = array<i32>} : memref<1280xf32, #tpu.memory_space<vmem>>, vector<16xf32>,
      tpu.vector_store %arg8[%swap3A_15], %broadcast_in_dim3A_5 {strides = array<i32>} : memref<1280xf32, #tpu.memory_space<vmem>>, vector<16xf32>,
      %swap3A_17 = arith.constant 80 : index
      %swap3A_18 = tpu.vector_load %arg8[%swap3A_17] {strides = array<i32>} : memref<1280xf32, #tpu.memory_space<vmem>>, vector<16xf32>,
      tpu.vector_store %arg8[%swap3A_17], %broadcast_in_dim3A_5 {strides = array<i32>} : memref<1280xf32, #tpu.memory_space<vmem>>, vector<16xf32>,
      %swap3A_19 = arith.constant 96 : index
      %swap3A_20 = tpu.vector_load %arg8[%swap3A_19] {strides = array<i32>} : memref<1280xf32, #tpu.memory_space<vmem>>, vector<16xf32>,
      tpu.vector_store %arg8[%swap3A_19], %broadcast_in_dim3A_5 {strides = array<i32>} : memref<1280xf32, #tpu.memory_space<vmem>>, vector<16xf32>,
      %swap3A_21 = arith.constant 112 : index
      %swap3A_22 = tpu.vector_load %arg8[%swap3A_21] {strides = array<i32>} : memref<1280xf32, #tpu.memory_space<vmem>>, vector<16xf32>,
      tpu.vector_store %arg8[%swap3A_21], %broadcast_in_dim3A_5 {strides = array<i32>} : memref<1280xf32, #tpu.memory_space<vmem>>, vector<16xf32>,
      %swap3A_23 = arith.constant 128 : index
      %swap3A_24 = tpu.vector_load %arg8[%swap3A_23] {strides = array<i32>} : memref<1280xf32, #tpu.memory_space<vmem>>, vector<16xf32>,
      tpu.vector_store %arg8[%swap3A_23], %broadcast_in_dim3A_5 {strides = array<i32>} : memref<1280xf32, #tpu.memory_space<vmem>>, vector<16xf32>,
      %swap3A_25 = arith.constant 144 : index
      %swap3A_26 = tpu.vector_load %arg8[%swap3A_25] {strides = array<i32>} : memref<1280xf32, #tpu.memory_space<vmem>>, vector<16xf32>,
      tpu.vector_store %arg8[%swap3A_25], %broadcast_in_dim3A_5 {strides = array<i32>} : memref<1280xf32, #tpu.memory_space<vmem>>, vector<16xf32>,
      %swap3A_27 = arith.constant 160 : index
      %swap3A_28 = tpu.vector_load %arg8[%swap3A_27] {strides = array<i32>} : memref<1280xf32, #tpu.memory_space<vmem>>, vector<16xf32>,
      tpu.vector_store %arg8[%swap3A_27], %broadcast_in_dim3A_5 {strides = array<i32>} : memref<1280xf32, #tpu.memory_space<vmem>>, vector<16xf32>,
      %swap3A_29 = arith.constant 176 : index
      %swap3A_30 = tpu.vector_load %arg8[%swap3A_29] {strides = array<i32>} : memref<1280xf32, #tpu.memory_space<vmem>>, vector<16xf32>,
      tpu.vector_store %arg8[%swap3A_29], %broadcast_in_dim3A_5 {strides = array<i32>} : memref<1280xf32, #tpu.memory_space<vmem>>, vector<16xf32>,
      %swap3A_31 = arith.constant 192 : index
      %swap3A_32 = tpu.vector_load %arg8[%swap3A_31] {strides = array<i32>} : memref<1280xf32, #tpu.memory_space<vmem>>, vector<16xf32>,
      tpu.vector_store %arg8[%swap3A_31], %broadcast_in_dim3A_5 {strides = array<i32>} : memref<1280xf32, #tpu.memory_space<vmem>>, vector<16xf32>,
      %swap3A_33 = arith.constant 208 : index
      %swap3A_34 = tpu.vector_load %arg8[%swap3A_33] {strides = array<i32>} : memref<1280xf32, #tpu.memory_space<vmem>>, vector<16xf32>,
      tpu.vector_store %arg8[%swap3A_33], %broadcast_in_dim3A_5 {strides = array<i32>} : memref<1280xf32, #tpu.memory_space<vmem>>, vector<16xf32>,
      %swap3A_35 = arith.constant 224 : index
      %swap3A_36 = tpu.vector_load %arg8[%swap3A_35] {strides = array<i32>} : memref<1280xf32, #tpu.memory_space<vmem>>, vector<16xf32>,
      tpu.vector_store %arg8[%swap3A_35], %broadcast_in_dim3A_5 {strides = array<i32>} : memref<1280xf32, #tpu.memory_space<vmem>>, vector<16xf32>,
      %swap3A_37 = arith.constant 240 : index
      %swap3A_38 = tpu.vector_load %arg8[%swap3A_37] {strides = array<i32>} : memref<1280xf32, #tpu.memory_space<vmem>>, vector<16xf32>,
      tpu.vector_store %arg8[%swap3A_37], %broadcast_in_dim3A_5 {strides = array<i32>} : memref<1280xf32, #tpu.memory_space<vmem>>, vector<16xf32>,
      %swap3A_39 = arith.constant 256 : index
      %swap3A_40 = tpu.vector_load %arg8[%swap3A_39] {strides = array<i32>} : memref<1280xf32, #tpu.memory_space<vmem>>, vector<16xf32>,
      tpu.vector_store %arg8[%swap3A_39], %broadcast_in_dim3A_5 {strides = array<i32>} : memref<1280xf32, #tpu.memory_space<vmem>>, vector<16xf32>,
      %swap3A_41 = arith.constant 272 : index
      %swap3A_42 = tpu.vector_load %arg8[%swap3A_41] {strides = array<i32>} : memref<1280xf32, #tpu.memory_space<vmem>>, vector<16xf32>,
      tpu.vector_store %arg8[%swap3A_41], %broadcast_in_dim3A_5 {strides = array<i32>} : memref<1280xf32, #tpu.memory_space<vmem>>, vector<16xf32>,
      %swap3A_43 = arith.constant 288 : index
      %swap3A_44 = tpu.vector_load %arg8[%swap3A_43] {strides = array<i32>} : memref<1280xf32, #tpu.memory_space<vmem>>, vector<16xf32>,
      tpu.vector_store %arg8[%swap3A_43], %broadcast_in_dim3A_5 {strides = array<i32>} : memref<1280xf32, #tpu.memory_space<vmem>>, vector<16xf32>,
      %swap3A_45 = arith.constant 304 : index
      %swap3A_46 = tpu.vector_load %arg8[%swap3A_45] {strides = array<i32>} : memref<1280xf32, #tpu.memory_space<vmem>>, vector<16xf32>,
      tpu.vector_store %arg8[%swap3A_45], %broadcast_in_dim3A_5 {strides = array<i32>} : memref<1280xf32, #tpu.memory_space<vmem>>, vector<16xf32>,
      %swap3A_47 = arith.constant 320 : index
      %swap3A_48 = tpu.vector_load %arg8[%swap3A_47] {strides = array<i32>} : memref<1280xf32, #tpu.memory_space<vmem>>, vector<16xf32>,
      tpu.vector_store %arg8[%swap3A_47], %broadcast_in_dim3A_5 {strides = array<i32>} : memref<1280xf32, #tpu.memory_space<vmem>>, vector<16xf32>,
      %swap3A_49 = arith.constant 336 : index
      %swap3A_50 = tpu.vector_load %arg8[%swap3A_49] {strides = array<i32>} : memref<1280xf32, #tpu.memory_space<vmem>>, vector<16xf32>,
      tpu.vector_store %arg8[%swap3A_49], %broadcast_in_dim3A_5 {strides = array<i32>} : memref<1280xf32, #tpu.memory_space<vmem>>, vector<16xf32>,
      %swap3A_51 = arith.constant 352 : index
      %swap3A_52 = tpu.vector_load %arg8[%swap3A_51] {strides = array<i32>} : memref<1280xf32, #tpu.memory_space<vmem>>, vector<16xf32>,
      tpu.vector_store %arg8[%swap3A_51], %broadcast_in_dim3A_5 {strides = array<i32>} : memref<1280xf32, #tpu.memory_space<vmem>>, vector<16xf32>,
      %swap3A_53 = arith.constant 368 : index
      %swap3A_54 = tpu.vector_load %arg8[%swap3A_53] {strides = array<i32>} : memref<1280xf32, #tpu.memory_space<vmem>>, vector<16xf32>,
      tpu.vector_store %arg8[%swap3A_53], %broadcast_in_dim3A_5 {strides = array<i32>} : memref<1280xf32, #tpu.memory_space<vmem>>, vector<16xf32>,
      %swap3A_55 = arith.constant 384 : index
      %swap3A_56 = tpu.vector_load %arg8[%swap3A_55] {strides = array<i32>} : memref<1280xf32, #tpu.memory_space<vmem>>, vector<16xf32>,
      tpu.vector_store %arg8[%swap3A_55], %broadcast_in_dim3A_5 {strides = array<i32>} : memref<1280xf32, #tpu.memory_space<vmem>>, vector<16xf32>,
      %swap3A_57 = arith.constant 400 : index
      %swap3A_58 = tpu.vector_load %arg8[%swap3A_57] {strides = array<i32>} : memref<1280xf32, #tpu.memory_space<vmem>>, vector<16xf32>,
      tpu.vector_store %arg8[%swap3A_57], %broadcast_in_dim3A_5 {strides = array<i32>} : memref<1280xf32, #tpu.memory_space<vmem>>, vector<16xf32>,
      %swap3A_59 = arith.constant 416 : index
      %swap3A_60 = tpu.vector_load %arg8[%swap3A_59] {strides = array<i32>} : memref<1280xf32, #tpu.memory_space<vmem>>, vector<16xf32>,
      tpu.vector_store %arg8[%swap3A_59], %broadcast_in_dim3A_5 {strides = array<i32>} : memref<1280xf32, #tpu.memory_space<vmem>>, vector<16xf32>,
      %swap3A_61 = arith.constant 432 : index
      %swap3A_62 = tpu.vector_load %arg8[%swap3A_61] {strides = array<i32>} : memref<1280xf32, #tpu.memory_space<vmem>>, vector<16xf32>,
      tpu.vector_store %arg8[%swap3A_61], %broadcast_in_dim3A_5 {strides = array<i32>} : memref<1280xf32, #tpu.memory_space<vmem>>, vector<16xf32>,
      %swap3A_63 = arith.constant 448 : index
      %swap3A_64 = tpu.vector_load %arg8[%swap3A_63] {strides = array<i32>} : memref<1280xf32, #tpu.memory_space<vmem>>, vector<16xf32>,
      tpu.vector_store %arg8[%swap3A_63], %broadcast_in_dim3A_5 {strides = array<i32>} : memref<1280xf32, #tpu.memory_space<vmem>>, vector<16xf32>,
      %swap3A_65 = arith.constant 464 : index
      %swap3A_66 = tpu.vector_load %arg8[%swap3A_65] {strides = array<i32>} : memref<1280xf32, #tpu.memory_space<vmem>>, vector<16xf32>,
      tpu.vector_store %arg8[%swap3A_65], %broadcast_in_dim3A_5 {strides = array<i32>} : memref<1280xf32, #tpu.memory_space<vmem>>, vector<16xf32>,
      %swap3A_67 = arith.constant 480 : index
      %swap3A_68 = tpu.vector_load %arg8[%swap3A_67] {strides = array<i32>} : memref<1280xf32, #tpu.memory_space<vmem>>, vector<16xf32>,
      tpu.vector_store %arg8[%swap3A_67], %broadcast_in_dim3A_5 {strides = array<i32>} : memref<1280xf32, #tpu.memory_space<vmem>>, vector<16xf32>,
      %swap3A_69 = arith.constant 496 : index
      %swap3A_70 = tpu.vector_load %arg8[%swap3A_69] {strides = array<i32>} : memref<1280xf32, #tpu.memory_space<vmem>>, vector<16xf32>,
      tpu.vector_store %arg8[%swap3A_69], %broadcast_in_dim3A_5 {strides = array<i32>} : memref<1280xf32, #tpu.memory_space<vmem>>, vector<16xf32>,
      %swap3A_71 = arith.constant 512 : index
      %swap3A_72 = tpu.vector_load %arg8[%swap3A_71] {strides = array<i32>} : memref<1280xf32, #tpu.memory_space<vmem>>, vector<16xf32>,
      tpu.vector_store %arg8[%swap3A_71], %broadcast_in_dim3A_5 {strides = array<i32>} : memref<1280xf32, #tpu.memory_space<vmem>>, vector<16xf32>,
      %swap3A_73 = arith.constant 528 : index
      %swap3A_74 = tpu.vector_load %arg8[%swap3A_73] {strides = array<i32>} : memref<1280xf32, #tpu.memory_space<vmem>>, vector<16xf32>,
      tpu.vector_store %arg8[%swap3A_73], %broadcast_in_dim3A_5 {strides = array<i32>} : memref<1280xf32, #tpu.memory_space<vmem>>, vector<16xf32>,
      %swap3A_75 = arith.constant 544 : index
      %swap3A_76 = tpu.vector_load %arg8[%swap3A_75] {strides = array<i32>} : memref<1280xf32, #tpu.memory_space<vmem>>, vector<16xf32>,
      tpu.vector_store %arg8[%swap3A_75], %broadcast_in_dim3A_5 {strides = array<i32>} : memref<1280xf32, #tpu.memory_space<vmem>>, vector<16xf32>,
      %swap3A_77 = arith.constant 560 : index
      %swap3A_78 = tpu.vector_load %arg8[%swap3A_77] {strides = array<i32>} : memref<1280xf32, #tpu.memory_space<vmem>>, vector<16xf32>,
      tpu.vector_store %arg8[%swap3A_77], %broadcast_in_dim3A_5 {strides = array<i32>} : memref<1280xf32, #tpu.memory_space<vmem>>, vector<16xf32>,
      %swap3A_79 = arith.constant 576 : index
      %swap3A_80 = tpu.vector_load %arg8[%swap3A_79] {strides = array<i32>} : memref<1280xf32, #tpu.memory_space<vmem>>, vector<16xf32>,
      tpu.vector_store %arg8[%swap3A_79], %broadcast_in_dim3A_5 {strides = array<i32>} : memref<1280xf32, #tpu.memory_space<vmem>>, vector<16xf32>,
      %swap3A_81 = arith.constant 592 : index
      %swap3A_82 = tpu.vector_load %arg8[%swap3A_81] {strides = array<i32>} : memref<1280xf32, #tpu.memory_space<vmem>>, vector<16xf32>,
      tpu.vector_store %arg8[%swap3A_81], %broadcast_in_dim3A_5 {strides = array<i32>} : memref<1280xf32, #tpu.memory_space<vmem>>, vector<16xf32>,
      %swap3A_83 = arith.constant 608 : index
      %swap3A_84 = tpu.vector_load %arg8[%swap3A_83] {strides = array<i32>} : memref<1280xf32, #tpu.memory_space<vmem>>, vector<16xf32>,
      tpu.vector_store %arg8[%swap3A_83], %broadcast_in_dim3A_5 {strides = array<i32>} : memref<1280xf32, #tpu.memory_space<vmem>>, vector<16xf32>,
      %swap3A_85 = arith.constant 624 : index
      %swap3A_86 = tpu.vector_load %arg8[%swap3A_85] {strides = array<i32>} : memref<1280xf32, #tpu.memory_space<vmem>>, vector<16xf32>,
      tpu.vector_store %arg8[%swap3A_85], %broadcast_in_dim3A_5 {strides = array<i32>} : memref<1280xf32, #tpu.memory_space<vmem>>, vector<16xf32>,
      %swap3A_87 = arith.constant 640 : index
      %swap3A_88 = tpu.vector_load %arg8[%swap3A_87] {strides = array<i32>} : memref<1280xf32, #tpu.memory_space<vmem>>, vector<16xf32>,
      tpu.vector_store %arg8[%swap3A_87], %broadcast_in_dim3A_5 {strides = array<i32>} : memref<1280xf32, #tpu.memory_space<vmem>>, vector<16xf32>,
      %swap3A_89 = arith.constant 656 : index
      %swap3A_90 = tpu.vector_load %arg8[%swap3A_89] {strides = array<i32>} : memref<1280xf32, #tpu.memory_space<vmem>>, vector<16xf32>,
      tpu.vector_store %arg8[%swap3A_89], %broadcast_in_dim3A_5 {strides = array<i32>} : memref<1280xf32, #tpu.memory_space<vmem>>, vector<16xf32>,
      %swap3A_91 = arith.constant 672 : index
      %swap3A_92 = tpu.vector_load %arg8[%swap3A_91] {strides = array<i32>} : memref<1280xf32, #tpu.memory_space<vmem>>, vector<16xf32>,
      tpu.vector_store %arg8[%swap3A_91], %broadcast_in_dim3A_5 {strides = array<i32>} : memref<1280xf32, #tpu.memory_space<vmem>>, vector<16xf32>,
      %swap3A_93 = arith.constant 688 : index
      %swap3A_94 = tpu.vector_load %arg8[%swap3A_93] {strides = array<i32>} : memref<1280xf32, #tpu.memory_space<vmem>>, vector<16xf32>,
      tpu.vector_store %arg8[%swap3A_93], %broadcast_in_dim3A_5 {strides = array<i32>} : memref<1280xf32, #tpu.memory_space<vmem>>, vector<16xf32>,
      %swap3A_95 = arith.constant 704 : index
      %swap3A_96 = tpu.vector_load %arg8[%swap3A_95] {strides = array<i32>} : memref<1280xf32, #tpu.memory_space<vmem>>, vector<16xf32>,
      tpu.vector_store %arg8[%swap3A_95], %broadcast_in_dim3A_5 {strides = array<i32>} : memref<1280xf32, #tpu.memory_space<vmem>>, vector<16xf32>,
      %swap3A_97 = arith.constant 720 : index
      %swap3A_98 = tpu.vector_load %arg8[%swap3A_97] {strides = array<i32>} : memref<1280xf32, #tpu.memory_space<vmem>>, vector<16xf32>,
      tpu.vector_store %arg8[%swap3A_97], %broadcast_in_dim3A_5 {strides = array<i32>} : memref<1280xf32, #tpu.memory_space<vmem>>, vector<16xf32>,
      %swap3A_99 = arith.constant 736 : index
      %swap3A_100 = tpu.vector_load %arg8[%swap3A_99] {strides = array<i32>} : memref<1280xf32, #tpu.memory_space<vmem>>, vector<16xf32>,
      tpu.vector_store %arg8[%swap3A_99], %broadcast_in_dim3A_5 {strides = array<i32>} : memref<1280xf32, #tpu.memory_space<vmem>>, vector<16xf32>,
      %swap3A_101 = arith.constant 752 : index
      %swap3A_102 = tpu.vector_load %arg8[%swap3A_101] {strides = array<i32>} : memref<1280xf32, #tpu.memory_space<vmem>>, vector<16xf32>,
      tpu.vector_store %arg8[%swap3A_101], %broadcast_in_dim3A_5 {strides = array<i32>} : memref<1280xf32, #tpu.memory_space<vmem>>, vector<16xf32>,
      %swap3A_103 = arith.constant 768 : index
      %swap3A_104 = tpu.vector_load %arg8[%swap3A_103] {strides = array<i32>} : memref<1280xf32, #tpu.memory_space<vmem>>, vector<16xf32>,
      tpu.vector_store %arg8[%swap3A_103], %broadcast_in_dim3A_5 {strides = array<i32>} : memref<1280xf32, #tpu.memory_space<vmem>>, vector<16xf32>,
      %swap3A_105 = arith.constant 784 : index
      %swap3A_106 = tpu.vector_load %arg8[%swap3A_105] {strides = array<i32>} : memref<1280xf32, #tpu.memory_space<vmem>>, vector<16xf32>,
      tpu.vector_store %arg8[%swap3A_105], %broadcast_in_dim3A_5 {strides = array<i32>} : memref<1280xf32, #tpu.memory_space<vmem>>, vector<16xf32>,
      %swap3A_107 = arith.constant 800 : index
      %swap3A_108 = tpu.vector_load %arg8[%swap3A_107] {strides = array<i32>} : memref<1280xf32, #tpu.memory_space<vmem>>, vector<16xf32>,
      tpu.vector_store %arg8[%swap3A_107], %broadcast_in_dim3A_5 {strides = array<i32>} : memref<1280xf32, #tpu.memory_space<vmem>>, vector<16xf32>,
      %swap3A_109 = arith.constant 816 : index
      %swap3A_110 = tpu.vector_load %arg8[%swap3A_109] {strides = array<i32>} : memref<1280xf32, #tpu.memory_space<vmem>>, vector<16xf32>,
      tpu.vector_store %arg8[%swap3A_109], %broadcast_in_dim3A_5 {strides = array<i32>} : memref<1280xf32, #tpu.memory_space<vmem>>, vector<16xf32>,
      %swap3A_111 = arith.constant 832 : index
      %swap3A_112 = tpu.vector_load %arg8[%swap3A_111] {strides = array<i32>} : memref<1280xf32, #tpu.memory_space<vmem>>, vector<16xf32>,
      tpu.vector_store %arg8[%swap3A_111], %broadcast_in_dim3A_5 {strides = array<i32>} : memref<1280xf32, #tpu.memory_space<vmem>>, vector<16xf32>,
      %swap3A_113 = arith.constant 848 : index
      %swap3A_114 = tpu.vector_load %arg8[%swap3A_113] {strides = array<i32>} : memref<1280xf32, #tpu.memory_space<vmem>>, vector<16xf32>,
      tpu.vector_store %arg8[%swap3A_113], %broadcast_in_dim3A_5 {strides = array<i32>} : memref<1280xf32, #tpu.memory_space<vmem>>, vector<16xf32>,
      %swap3A_115 = arith.constant 864 : index
      %swap3A_116 = tpu.vector_load %arg8[%swap3A_115] {strides = array<i32>} : memref<1280xf32, #tpu.memory_space<vmem>>, vector<16xf32>,
      tpu.vector_store %arg8[%swap3A_115], %broadcast_in_dim3A_5 {strides = array<i32>} : memref<1280xf32, #tpu.memory_space<vmem>>, vector<16xf32>,
      %swap3A_117 = arith.constant 880 : index
      %swap3A_118 = tpu.vector_load %arg8[%swap3A_117] {strides = array<i32>} : memref<1280xf32, #tpu.memory_space<vmem>>, vector<16xf32>,
      tpu.vector_store %arg8[%swap3A_117], %broadcast_in_dim3A_5 {strides = array<i32>} : memref<1280xf32, #tpu.memory_space<vmem>>, vector<16xf32>,
      %swap3A_119 = arith.constant 896 : index
      %swap3A_120 = tpu.vector_load %arg8[%swap3A_119] {strides = array<i32>} : memref<1280xf32, #tpu.memory_space<vmem>>, vector<16xf32>,
      tpu.vector_store %arg8[%swap3A_119], %broadcast_in_dim3A_5 {strides = array<i32>} : memref<1280xf32, #tpu.memory_space<vmem>>, vector<16xf32>,
      %swap3A_121 = arith.constant 912 : index
      %swap3A_122 = tpu.vector_load %arg8[%swap3A_121] {strides = array<i32>} : memref<1280xf32, #tpu.memory_space<vmem>>, vector<16xf32>,
      tpu.vector_store %arg8[%swap3A_121], %broadcast_in_dim3A_5 {strides = array<i32>} : memref<1280xf32, #tpu.memory_space<vmem>>, vector<16xf32>,
      %swap3A_123 = arith.constant 928 : index
      %swap3A_124 = tpu.vector_load %arg8[%swap3A_123] {strides = array<i32>} : memref<1280xf32, #tpu.memory_space<vmem>>, vector<16xf32>,
      tpu.vector_store %arg8[%swap3A_123], %broadcast_in_dim3A_5 {strides = array<i32>} : memref<1280xf32, #tpu.memory_space<vmem>>, vector<16xf32>,
      %swap3A_125 = arith.constant 944 : index
      %swap3A_126 = tpu.vector_load %arg8[%swap3A_125] {strides = array<i32>} : memref<1280xf32, #tpu.memory_space<vmem>>, vector<16xf32>,
      tpu.vector_store %arg8[%swap3A_125], %broadcast_in_dim3A_5 {strides = array<i32>} : memref<1280xf32, #tpu.memory_space<vmem>>, vector<16xf32>,
      %swap3A_127 = arith.constant 960 : index
      %swap3A_128 = tpu.vector_load %arg8[%swap3A_127] {strides = array<i32>} : memref<1280xf32, #tpu.memory_space<vmem>>, vector<16xf32>,
      tpu.vector_store %arg8[%swap3A_127], %broadcast_in_dim3A_5 {strides = array<i32>} : memref<1280xf32, #tpu.memory_space<vmem>>, vector<16xf32>,
      %swap3A_129 = arith.constant 976 : index
      %swap3A_130 = tpu.vector_load %arg8[%swap3A_129] {strides = array<i32>} : memref<1280xf32, #tpu.memory_space<vmem>>, vector<16xf32>,
      tpu.vector_store %arg8[%swap3A_129], %broadcast_in_dim3A_5 {strides = array<i32>} : memref<1280xf32, #tpu.memory_space<vmem>>, vector<16xf32>,
      %swap3A_131 = arith.constant 992 : index
      %swap3A_132 = tpu.vector_load %arg8[%swap3A_131] {strides = array<i32>} : memref<1280xf32, #tpu.memory_space<vmem>>, vector<16xf32>,
      tpu.vector_store %arg8[%swap3A_131], %broadcast_in_dim3A_5 {strides = array<i32>} : memref<1280xf32, #tpu.memory_space<vmem>>, vector<16xf32>,
      %swap3A_133 = arith.constant 1008 : index
      %swap3A_134 = tpu.vector_load %arg8[%swap3A_133] {strides = array<i32>} : memref<1280xf32, #tpu.memory_space<vmem>>, vector<16xf32>,
      tpu.vector_store %arg8[%swap3A_133], %broadcast_in_dim3A_5 {strides = array<i32>} : memref<1280xf32, #tpu.memory_space<vmem>>, vector<16xf32>,
      %swap3A_135 = arith.constant 1024 : index
      %swap3A_136 = tpu.vector_load %arg8[%swap3A_135] {strides = array<i32>} : memref<1280xf32, #tpu.memory_space<vmem>>, vector<16xf32>,
      tpu.vector_store %arg8[%swap3A_135], %broadcast_in_dim3A_5 {strides = array<i32>} : memref<1280xf32, #tpu.memory_space<vmem>>, vector<16xf32>,
      %swap3A_137 = arith.constant 1040 : index
      %swap3A_138 = tpu.vector_load %arg8[%swap3A_137] {strides = array<i32>} : memref<1280xf32, #tpu.memory_space<vmem>>, vector<16xf32>,
      tpu.vector_store %arg8[%swap3A_137], %broadcast_in_dim3A_5 {strides = array<i32>} : memref<1280xf32, #tpu.memory_space<vmem>>, vector<16xf32>,
      %swap3A_139 = arith.constant 1056 : index
      %swap3A_140 = tpu.vector_load %arg8[%swap3A_139] {strides = array<i32>} : memref<1280xf32, #tpu.memory_space<vmem>>, vector<16xf32>,
      tpu.vector_store %arg8[%swap3A_139], %broadcast_in_dim3A_5 {strides = array<i32>} : memref<1280xf32, #tpu.memory_space<vmem>>, vector<16xf32>,
      %swap3A_141 = arith.constant 1072 : index
      %swap3A_142 = tpu.vector_load %arg8[%swap3A_141] {strides = array<i32>} : memref<1280xf32, #tpu.memory_space<vmem>>, vector<16xf32>,
      tpu.vector_store %arg8[%swap3A_141], %broadcast_in_dim3A_5 {strides = array<i32>} : memref<1280xf32, #tpu.memory_space<vmem>>, vector<16xf32>,
      %swap3A_143 = arith.constant 1088 : index
      %swap3A_144 = tpu.vector_load %arg8[%swap3A_143] {strides = array<i32>} : memref<1280xf32, #tpu.memory_space<vmem>>, vector<16xf32>,
      tpu.vector_store %arg8[%swap3A_143], %broadcast_in_dim3A_5 {strides = array<i32>} : memref<1280xf32, #tpu.memory_space<vmem>>, vector<16xf32>,
      %swap3A_145 = arith.constant 1104 : index
      %swap3A_146 = tpu.vector_load %arg8[%swap3A_145] {strides = array<i32>} : memref<1280xf32, #tpu.memory_space<vmem>>, vector<16xf32>,
      tpu.vector_store %arg8[%swap3A_145], %broadcast_in_dim3A_5 {strides = array<i32>} : memref<1280xf32, #tpu.memory_space<vmem>>, vector<16xf32>,
      %swap3A_147 = arith.constant 1120 : index
      %swap3A_148 = tpu.vector_load %arg8[%swap3A_147] {strides = array<i32>} : memref<1280xf32, #tpu.memory_space<vmem>>, vector<16xf32>,
      tpu.vector_store %arg8[%swap3A_147], %broadcast_in_dim3A_5 {strides = array<i32>} : memref<1280xf32, #tpu.memory_space<vmem>>, vector<16xf32>,
      %swap3A_149 = arith.constant 1136 : index
      %swap3A_150 = tpu.vector_load %arg8[%swap3A_149] {strides = array<i32>} : memref<1280xf32, #tpu.memory_space<vmem>>, vector<16xf32>,
      tpu.vector_store %arg8[%swap3A_149], %broadcast_in_dim3A_5 {strides = array<i32>} : memref<1280xf32, #tpu.memory_space<vmem>>, vector<16xf32>,
      %swap3A_151 = arith.constant 1152 : index
      %swap3A_152 = tpu.vector_load %arg8[%swap3A_151] {strides = array<i32>} : memref<1280xf32, #tpu.memory_space<vmem>>, vector<16xf32>,
      tpu.vector_store %arg8[%swap3A_151], %broadcast_in_dim3A_5 {strides = array<i32>} : memref<1280xf32, #tpu.memory_space<vmem>>, vector<16xf32>,
      %swap3A_153 = arith.constant 1168 : index
      %swap3A_154 = tpu.vector_load %arg8[%swap3A_153] {strides = array<i32>} : memref<1280xf32, #tpu.memory_space<vmem>>, vector<16xf32>,
      tpu.vector_store %arg8[%swap3A_153], %broadcast_in_dim3A_5 {strides = array<i32>} : memref<1280xf32, #tpu.memory_space<vmem>>, vector<16xf32>,
      %swap3A_155 = arith.constant 1184 : index
      %swap3A_156 = tpu.vector_load %arg8[%swap3A_155] {strides = array<i32>} : memref<1280xf32, #tpu.memory_space<vmem>>, vector<16xf32>,
      tpu.vector_store %arg8[%swap3A_155], %broadcast_in_dim3A_5 {strides = array<i32>} : memref<1280xf32, #tpu.memory_space<vmem>>, vector<16xf32>,
      %swap3A_157 = arith.constant 1200 : index
      %swap3A_158 = tpu.vector_load %arg8[%swap3A_157] {strides = array<i32>} : memref<1280xf32, #tpu.memory_space<vmem>>, vector<16xf32>,
      tpu.vector_store %arg8[%swap3A_157], %broadcast_in_dim3A_5 {strides = array<i32>} : memref<1280xf32, #tpu.memory_space<vmem>>, vector<16xf32>,
      %swap3A_159 = arith.constant 1216 : index
      %swap3A_160 = tpu.vector_load %arg8[%swap3A_159] {strides = array<i32>} : memref<1280xf32, #tpu.memory_space<vmem>>, vector<16xf32>,
      tpu.vector_store %arg8[%swap3A_159], %broadcast_in_dim3A_5 {strides = array<i32>} : memref<1280xf32, #tpu.memory_space<vmem>>, vector<16xf32>,
      %swap3A_161 = arith.constant 1232 : index
      %swap3A_162 = tpu.vector_load %arg8[%swap3A_161] {strides = array<i32>} : memref<1280xf32, #tpu.memory_space<vmem>>, vector<16xf32>,
      tpu.vector_store %arg8[%swap3A_161], %broadcast_in_dim3A_5 {strides = array<i32>} : memref<1280xf32, #tpu.memory_space<vmem>>, vector<16xf32>,
      %swap3A_163 = arith.constant 1248 : index
      %swap3A_164 = tpu.vector_load %arg8[%swap3A_163] {strides = array<i32>} : memref<1280xf32, #tpu.memory_space<vmem>>, vector<16xf32>,
      tpu.vector_store %arg8[%swap3A_163], %broadcast_in_dim3A_5 {strides = array<i32>} : memref<1280xf32, #tpu.memory_space<vmem>>, vector<16xf32>,
      %swap3A_165 = arith.constant 1264 : index
      %swap3A_166 = tpu.vector_load %arg8[%swap3A_165] {strides = array<i32>} : memref<1280xf32, #tpu.memory_space<vmem>>, vector<16xf32>,
      tpu.vector_store %arg8[%swap3A_165], %broadcast_in_dim3A_5 {strides = array<i32>} : memref<1280xf32, #tpu.memory_space<vmem>>, vector<16xf32>,
      %and3A = arith.constant 0 : i32
      %and3A_167 = arith.constant 1 : i32
      %and3A_168 = arith.andi %and3A, %and3A_167 : i32
      %mul3A_169 = arith.constant 128 : i32
      %mul3A_170 = arith.muli %and3A_168, %mul3A_169 : i32
      %dma_start3A = arith.constant 0 : i32
      %dma_start3A_171 = tpu.memref_slice %arg6[%mul3A_170, %dma_start3A] : memref<256x256xf32, #tpu.memory_space<vmem>> -> memref<128x256xf32, #tpu.memory_space<vmem>>
      %dma_start3A_172 = arith.constant 0 : i32
      %dma_start3A_173 = tpu.memref_slice %arg2[%dma_start3A_172, %mul3A_4] : memref<2050x4096xf32, #tpu.memory_space<hbm>> -> memref<128x256xf32, #tpu.memory_space<hbm>>
      %dma_start3A_174 = arith.constant 0 : i32
      %dma_start3A_175 = tpu.memref_slice %arg6[%mul3A_170, %dma_start3A_174] : memref<256x256xf32, #tpu.memory_space<vmem>> -> memref<128x256xf32, #tpu.memory_space<vmem>>
      %dma_start3A_176 = arith.constant 0 : i32
      %dma_start3A_177 = tpu.memref_slice %arg2[%dma_start3A_176, %mul3A_4] : memref<2050x4096xf32, #tpu.memory_space<hbm>> -> memref<128x256xf32, #tpu.memory_space<hbm>>
      tpu.enqueue_dma source(%dma_start3A_177 : memref<128x256xf32, #tpu.memory_space<hbm>>) target(%dma_start3A_175 : memref<128x256xf32, #tpu.memory_space<vmem>>) target_semaphore(%arg12 : memref<!tpu.dma_semaphore, #tpu.memory_space<semaphore_mem>>)
      %scan3A = arith.constant 0 : i32
      %scan3A_178 = arith.constant 16 : i32
      %scan3A_179 = arith.addi %scan3A, %scan3A_178 : i32
      %scan3A_180 = arith.constant 1 : i32
      scf.for %scan3A_187 = %scan3A to %scan3A_179 step %scan3A_180  : i32 {
        %and3A_188 = arith.constant 1 : i32
        %and3A_189 = arith.andi %scan3A_187, %and3A_188 : i32
        %mul3A_190 = arith.constant 128 : i32
        %mul3A_191 = arith.muli %scan3A_187, %mul3A_190 : i32
        %mul3A_192 = arith.constant 128 : i32
        %mul3A_193 = arith.muli %and3A_189, %mul3A_192 : i32
        %dma_wait3A = arith.constant 0 : i32
        %dma_wait3A_194 = tpu.memref_slice %arg6[%mul3A_193, %dma_wait3A] : memref<256x256xf32, #tpu.memory_space<vmem>> -> memref<128x256xf32, #tpu.memory_space<vmem>>
        %dma_wait3A_195 = tpu.memref_slice %arg2[%mul3A_191, %mul3A_4] : memref<2050x4096xf32, #tpu.memory_space<hbm>> -> memref<128x256xf32, #tpu.memory_space<hbm>>
        %dma_wait3A_196 = arith.constant 0 : i32
        %dma_wait3A_197 = tpu.memref_slice %arg6[%mul3A_193, %dma_wait3A_196] : memref<256x256xf32, #tpu.memory_space<vmem>> -> memref<128x256xf32, #tpu.memory_space<vmem>>
        %dma_wait3A_198 = tpu.memref_slice %arg2[%mul3A_191, %mul3A_4] : memref<2050x4096xf32, #tpu.memory_space<hbm>> -> memref<128x256xf32, #tpu.memory_space<hbm>>
        tpu.wait_dma2 semaphore(%arg12 : memref<!tpu.dma_semaphore, #tpu.memory_space<semaphore_mem>>) src(%dma_wait3A_198 : memref<128x256xf32, #tpu.memory_space<hbm>>) dst(%dma_wait3A_197 : memref<128x256xf32, #tpu.memory_space<vmem>>)
        %lt3A_199 = arith.constant 15 : i32
        %lt3A_200 = arith.cmpi slt, %scan3A_187, %lt3A_199 : i32
        %convert_element_type3A_201 = arith.extui %lt3A_200 : i1 to i32
        %cond3A_202 = arith.constant 0 : i32
        %cond3A_203 = arith.cmpi ne, %convert_element_type3A_201, %cond3A_202 : i32
        scf.if %cond3A_203 {
          %add3A_217 = arith.constant 1 : i32
          %add3A_218 = arith.addi %scan3A_187, %add3A_217 : i32
          %and3A_219 = arith.constant 1 : i32
          %and3A_220 = arith.andi %add3A_218, %and3A_219 : i32
          %mul3A_221 = arith.constant 128 : i32
          %mul3A_222 = arith.muli %add3A_218, %mul3A_221 : i32
          %mul3A_223 = arith.constant 128 : i32
          %mul3A_224 = arith.muli %and3A_220, %mul3A_223 : i32
          %dma_start3A_225 = arith.constant 0 : i32
          %dma_start3A_226 = tpu.memref_slice %arg6[%mul3A_224, %dma_start3A_225] : memref<256x256xf32, #tpu.memory_space<vmem>> -> memref<128x256xf32, #tpu.memory_space<vmem>>
          %dma_start3A_227 = tpu.memref_slice %arg2[%mul3A_222, %mul3A_4] : memref<2050x4096xf32, #tpu.memory_space<hbm>> -> memref<128x256xf32, #tpu.memory_space<hbm>>
          %dma_start3A_228 = arith.constant 0 : i32
          %dma_start3A_229 = tpu.memref_slice %arg6[%mul3A_224, %dma_start3A_228] : memref<256x256xf32, #tpu.memory_space<vmem>> -> memref<128x256xf32, #tpu.memory_space<vmem>>
          %dma_start3A_230 = tpu.memref_slice %arg2[%mul3A_222, %mul3A_4] : memref<2050x4096xf32, #tpu.memory_space<hbm>> -> memref<128x256xf32, #tpu.memory_space<hbm>>
          tpu.enqueue_dma source(%dma_start3A_230 : memref<128x256xf32, #tpu.memory_space<hbm>>) target(%dma_start3A_229 : memref<128x256xf32, #tpu.memory_space<vmem>>) target_semaphore(%arg12 : memref<!tpu.dma_semaphore, #tpu.memory_space<semaphore_mem>>)
        } else {
        }
        %and3A_204 = arith.constant 1 : i32
        %and3A_205 = arith.andi %scan3A_187, %and3A_204 : i32
        %mul3A_206 = arith.constant 128 : i32
        %mul3A_207 = arith.muli %and3A_205, %mul3A_206 : i32
        %broadcast_in_dim3A_208 = arith.constant 0 : i32
        %broadcast_in_dim3A_209 = vector.broadcast %broadcast_in_dim3A_208 : i32 to vector<16xi32>
        %add3A_210 = vector.broadcast %scan3A_187 : i32 to vector<16xi32>
        %add3A_211 = arith.addi %broadcast_in_dim3A_209, %add3A_210 : vector<16xi32>
        %scan3A_212 = arith.constant 0 : i32
        %scan3A_213 = arith.constant 16 : i32
        %scan3A_214 = arith.addi %scan3A_212, %scan3A_213 : i32
        %scan3A_215 = arith.constant 1 : i32
        scf.for %scan3A_217 = %scan3A_212 to %scan3A_214 step %scan3A_215  : i32 {
          %mul3A_218 = arith.constant 16 : i32
          %mul3A_219 = arith.muli %scan3A_217, %mul3A_218 : i32
          %add3A_220 = vector.broadcast %mul3A_219 : i32 to vector<16xi32>
          %add3A_221 = arith.addi %add3A_220, %iota3A : vector<16xi32>
          %mul3A_222 = arith.constant 16 : i32
          %mul3A_223 = arith.muli %scan3A_217, %mul3A_222 : i32
          %get3A = arith.constant 0 : i32
          %get3A_224 = arith.index_cast %get3A : i32 to index
          %get3A_225 = arith.index_cast %mul3A_223 : i32 to index
          %get3A_226 = tpu.vector_load %arg7[%get3A_224, %get3A_225] {strides = array<i32>} : memref<2x256xf32, #tpu.memory_space<vmem>>, vector<16xf32>,
          %convert_element_type3A_227 = arith.fptosi %get3A_226 : vector<16xf32> to vector<16xi32>
          %mul3A_228 = arith.constant 16 : i32
          %mul3A_229 = arith.muli %scan3A_217, %mul3A_228 : i32
          %get3A_230 = arith.constant 1 : i32
          %get3A_231 = arith.index_cast %get3A_230 : i32 to index
          %get3A_232 = arith.index_cast %mul3A_229 : i32 to index
          %get3A_233 = tpu.vector_load %arg7[%get3A_231, %get3A_232] {strides = array<i32>} : memref<2x256xf32, #tpu.memory_space<vmem>>, vector<16xf32>,
          %convert_element_type3A_234 = arith.fptosi %get3A_233 : vector<16xf32> to vector<16xi32>
          %shift_right_logical3A = arith.constant 3 : i32
          %shift_right_logical3A_235 = vector.broadcast %shift_right_logical3A : i32 to vector<16xi32>
          %shift_right_logical3A_236 = arith.shrui %convert_element_type3A_234, %shift_right_logical3A_235 : vector<16xi32>
          %and3A_237 = arith.constant 7 : i32
          %and3A_238 = vector.broadcast %and3A_237 : i32 to vector<16xi32>
          %and3A_239 = arith.andi %convert_element_type3A_234, %and3A_238 : vector<16xi32>
          %shift_right_logical3A_240 = arith.constant 3 : i32
          %shift_right_logical3A_241 = vector.broadcast %shift_right_logical3A_240 : i32 to vector<16xi32>
          %shift_right_logical3A_242 = arith.shrui %convert_element_type3A_227, %shift_right_logical3A_241 : vector<16xi32>
          %and3A_243 = arith.constant 7 : i32
          %and3A_244 = vector.broadcast %and3A_243 : i32 to vector<16xi32>
          %and3A_245 = arith.andi %convert_element_type3A_227, %and3A_244 : vector<16xi32>
          %mul3A_246 = arith.constant 5 : i32
          %mul3A_247 = arith.muli %scan3A_217, %mul3A_246 : i32
          %mul3A_248 = arith.constant 16 : i32
          %mul3A_249 = arith.muli %mul3A_247, %mul3A_248 : i32
          %get3A_250 = arith.index_cast %mul3A_249 : i32 to index
          %get3A_251 = tpu.vector_load %arg8[%get3A_250] {strides = array<i32>} : memref<1280xf32, #tpu.memory_space<vmem>>, vector<16xf32>,
          %add3A_252 = arith.constant 16 : i32
          %add3A_253 = arith.addi %mul3A_249, %add3A_252 : i32
          %get3A_254 = arith.index_cast %add3A_253 : i32 to index
          %get3A_255 = tpu.vector_load %arg8[%get3A_254] {strides = array<i32>} : memref<1280xf32, #tpu.memory_space<vmem>>, vector<16xf32>,
          %scan3A_256 = arith.constant 0 : i32
          %scan3A_257 = arith.constant 16 : i32
          %scan3A_258 = arith.addi %scan3A_256, %scan3A_257 : i32
          %scan3A_259 = arith.constant 1 : i32
          %scan3A_260:2 = scf.for %scan3A_493 = %scan3A_256 to %scan3A_258 step %scan3A_259 iter_args(%scan3A_494 = %get3A_251, %scan3A_495 = %get3A_255) -> (vector<16xf32>, vector<16xf32>)  : i32 {
            %mul3A_496 = arith.constant 8 : i32
            %mul3A_497 = arith.muli %scan3A_493, %mul3A_496 : i32
            %add3A_498 = arith.addi %mul3A_207, %mul3A_497 : i32
            %mul3A_499 = arith.constant 16 : i32
            %mul3A_500 = arith.muli %scan3A_217, %mul3A_499 : i32
            %get3A_501 = arith.index_cast %add3A_498 : i32 to index
            %get3A_502 = arith.index_cast %mul3A_500 : i32 to index
            %get3A_503 = tpu.vector_load %arg6[%get3A_501, %get3A_502] {strides = array<i32>} : memref<256x256xf32, #tpu.memory_space<vmem>>, vector<16xf32>,
            %add3A_504 = arith.addi %mul3A_207, %mul3A_497 : i32
            %add3A_505 = arith.constant 1 : i32
            %add3A_506 = arith.addi %add3A_504, %add3A_505 : i32
            %mul3A_507 = arith.constant 16 : i32
            %mul3A_508 = arith.muli %scan3A_217, %mul3A_507 : i32
            %get3A_509 = arith.index_cast %add3A_506 : i32 to index
            %get3A_510 = arith.index_cast %mul3A_508 : i32 to index
            %get3A_511 = tpu.vector_load %arg6[%get3A_509, %get3A_510] {strides = array<i32>} : memref<256x256xf32, #tpu.memory_space<vmem>>, vector<16xf32>,
            %add3A_512 = arith.addi %mul3A_207, %mul3A_497 : i32
            %add3A_513 = arith.constant 2 : i32
            %add3A_514 = arith.addi %add3A_512, %add3A_513 : i32
            %mul3A_515 = arith.constant 16 : i32
            %mul3A_516 = arith.muli %scan3A_217, %mul3A_515 : i32
            %get3A_517 = arith.index_cast %add3A_514 : i32 to index
            %get3A_518 = arith.index_cast %mul3A_516 : i32 to index
            %get3A_519 = tpu.vector_load %arg6[%get3A_517, %get3A_518] {strides = array<i32>} : memref<256x256xf32, #tpu.memory_space<vmem>>, vector<16xf32>,
            %add3A_520 = arith.addi %mul3A_207, %mul3A_497 : i32
            %add3A_521 = arith.constant 3 : i32
            %add3A_522 = arith.addi %add3A_520, %add3A_521 : i32
            %mul3A_523 = arith.constant 16 : i32
            %mul3A_524 = arith.muli %scan3A_217, %mul3A_523 : i32
            %get3A_525 = arith.index_cast %add3A_522 : i32 to index
            %get3A_526 = arith.index_cast %mul3A_524 : i32 to index
            %get3A_527 = tpu.vector_load %arg6[%get3A_525, %get3A_526] {strides = array<i32>} : memref<256x256xf32, #tpu.memory_space<vmem>>, vector<16xf32>,
            %add3A_528 = arith.addi %mul3A_207, %mul3A_497 : i32
            %add3A_529 = arith.constant 4 : i32
            %add3A_530 = arith.addi %add3A_528, %add3A_529 : i32
            %mul3A_531 = arith.constant 16 : i32
            %mul3A_532 = arith.muli %scan3A_217, %mul3A_531 : i32
            %get3A_533 = arith.index_cast %add3A_530 : i32 to index
            %get3A_534 = arith.index_cast %mul3A_532 : i32 to index
            %get3A_535 = tpu.vector_load %arg6[%get3A_533, %get3A_534] {strides = array<i32>} : memref<256x256xf32, #tpu.memory_space<vmem>>, vector<16xf32>,
            %add3A_536 = arith.addi %mul3A_207, %mul3A_497 : i32
            %add3A_537 = arith.constant 5 : i32
            %add3A_538 = arith.addi %add3A_536, %add3A_537 : i32
            %mul3A_539 = arith.constant 16 : i32
            %mul3A_540 = arith.muli %scan3A_217, %mul3A_539 : i32
            %get3A_541 = arith.index_cast %add3A_538 : i32 to index
            %get3A_542 = arith.index_cast %mul3A_540 : i32 to index
            %get3A_543 = tpu.vector_load %arg6[%get3A_541, %get3A_542] {strides = array<i32>} : memref<256x256xf32, #tpu.memory_space<vmem>>, vector<16xf32>,
            %add3A_544 = arith.addi %mul3A_207, %mul3A_497 : i32
            %add3A_545 = arith.constant 6 : i32
            %add3A_546 = arith.addi %add3A_544, %add3A_545 : i32
            %mul3A_547 = arith.constant 16 : i32
            %mul3A_548 = arith.muli %scan3A_217, %mul3A_547 : i32
            %get3A_549 = arith.index_cast %add3A_546 : i32 to index
            %get3A_550 = arith.index_cast %mul3A_548 : i32 to index
            %get3A_551 = tpu.vector_load %arg6[%get3A_549, %get3A_550] {strides = array<i32>} : memref<256x256xf32, #tpu.memory_space<vmem>>, vector<16xf32>,
            %add3A_552 = arith.addi %mul3A_207, %mul3A_497 : i32
            %add3A_553 = arith.constant 7 : i32
            %add3A_554 = arith.addi %add3A_552, %add3A_553 : i32
            %mul3A_555 = arith.constant 16 : i32
            %mul3A_556 = arith.muli %scan3A_217, %mul3A_555 : i32
            %get3A_557 = arith.index_cast %add3A_554 : i32 to index
            %get3A_558 = arith.index_cast %mul3A_556 : i32 to index
            %get3A_559 = tpu.vector_load %arg6[%get3A_557, %get3A_558] {strides = array<i32>} : memref<256x256xf32, #tpu.memory_space<vmem>>, vector<16xf32>,
            %mul3A_560 = arith.mulf %get3A_503, %get3A_511 : vector<16xf32>
            %mul3A_561 = arith.mulf %get3A_519, %get3A_527 : vector<16xf32>
            %mul3A_562 = arith.mulf %mul3A_560, %mul3A_561 : vector<16xf32>
            %mul3A_563 = arith.mulf %get3A_535, %get3A_543 : vector<16xf32>
            %mul3A_564 = arith.mulf %get3A_551, %get3A_559 : vector<16xf32>
            %mul3A_565 = arith.mulf %mul3A_563, %mul3A_564 : vector<16xf32>
            %mul3A_566 = arith.mulf %mul3A_562, %mul3A_565 : vector<16xf32>
            %mul3A_567 = arith.constant 16 : i32
            %mul3A_568 = vector.broadcast %mul3A_567 : i32 to vector<16xi32>
            %mul3A_569 = arith.muli %add3A_211, %mul3A_568 : vector<16xi32>
            %add3A_570 = vector.broadcast %scan3A_493 : i32 to vector<16xi32>
            %add3A_571 = arith.addi %mul3A_569, %add3A_570 : vector<16xi32>
            %lt3A_572 = arith.cmpi slt, %add3A_571, %shift_right_logical3A_236 : vector<16xi32>
            %select_n3A_573 = arith.select %lt3A_572, %mul3A_566, %broadcast_in_dim3A_5 : vector<16xi1>, vector<16xf32>
            %mul3A_574 = arith.mulf %scan3A_494, %select_n3A_573 : vector<16xf32>
            %lt3A_575 = arith.cmpi slt, %add3A_571, %shift_right_logical3A_242 : vector<16xi32>
            %select_n3A_576 = arith.select %lt3A_575, %mul3A_566, %broadcast_in_dim3A_5 : vector<16xi1>, vector<16xf32>
            %mul3A_577 = arith.mulf %scan3A_495, %select_n3A_576 : vector<16xf32>
            scf.yield %mul3A_574, %mul3A_577 : vector<16xf32>, vector<16xf32>
          }
          %scan3A_261 = arith.constant 16 : i32
          %swap3A_262 = arith.index_cast %mul3A_249 : i32 to index
          %swap3A_263 = tpu.vector_load %arg8[%swap3A_262] {strides = array<i32>} : memref<1280xf32, #tpu.memory_space<vmem>>, vector<16xf32>,
          tpu.vector_store %arg8[%swap3A_262], %scan3A_260#0 {strides = array<i32>} : memref<1280xf32, #tpu.memory_space<vmem>>, vector<16xf32>,
          %add3A_264 = arith.constant 16 : i32
          %add3A_265 = arith.addi %mul3A_249, %add3A_264 : i32
          %swap3A_266 = arith.index_cast %add3A_265 : i32 to index
          %swap3A_267 = tpu.vector_load %arg8[%swap3A_266] {strides = array<i32>} : memref<1280xf32, #tpu.memory_space<vmem>>, vector<16xf32>,
          tpu.vector_store %arg8[%swap3A_266], %scan3A_260#1 {strides = array<i32>} : memref<1280xf32, #tpu.memory_space<vmem>>, vector<16xf32>,
          %add3A_268 = arith.constant 32 : i32
          %add3A_269 = arith.addi %mul3A_249, %add3A_268 : i32
          %get3A_270 = arith.index_cast %add3A_269 : i32 to index
          %get3A_271 = tpu.vector_load %arg8[%get3A_270] {strides = array<i32>} : memref<1280xf32, #tpu.memory_space<vmem>>, vector<16xf32>,
          %shift_right_logical3A_272 = arith.constant 4 : i32
          %shift_right_logical3A_273 = vector.broadcast %shift_right_logical3A_272 : i32 to vector<16xi32>
          %shift_right_logical3A_274 = arith.shrui %shift_right_logical3A_236, %shift_right_logical3A_273 : vector<16xi32>
          %eq3A = arith.cmpi eq, %shift_right_logical3A_274, %add3A_211 : vector<16xi32>
          %and3A_275 = arith.constant 15 : i32
          %and3A_276 = vector.broadcast %and3A_275 : i32 to vector<16xi32>
          %and3A_277 = arith.andi %shift_right_logical3A_236, %and3A_276 : vector<16xi32>
          %mul3A_278 = arith.constant 8 : i32
          %mul3A_279 = vector.broadcast %mul3A_278 : i32 to vector<16xi32>
          %mul3A_280 = arith.muli %and3A_277, %mul3A_279 : vector<16xi32>
          %select_n3A = arith.select %eq3A, %mul3A_280, %broadcast_in_dim3A_7 : vector<16xi1>, vector<16xi32>
          %add3A_281 = vector.broadcast %mul3A_207 : i32 to vector<16xi32>
          %add3A_282 = arith.addi %add3A_281, %select_n3A : vector<16xi32>
          %add3A_283 = arith.constant 0 : i32
          %add3A_284 = vector.broadcast %add3A_283 : i32 to vector<16xi32>
          %add3A_285 = arith.addi %add3A_282, %add3A_284 : vector<16xi32>
          %gather3A = tpu.vector_load_idx %arg6[%add3A_285, %add3A_221] : memref<256x256xf32, #tpu.memory_space<vmem>>[vector<16xi32>, vector<16xi32>], vector<16xf32>,
          %broadcast_in_dim3A_286 = arith.constant 0 : i32
          %broadcast_in_dim3A_287 = vector.broadcast %broadcast_in_dim3A_286 : i32 to vector<16xi32>
          %lt3A_288 = arith.cmpi slt, %broadcast_in_dim3A_287, %and3A_239 : vector<16xi32>
          %and3A_289 = arith.andi %eq3A, %lt3A_288 : vector<16xi1>
          %select_n3A_290 = arith.select %and3A_289, %gather3A, %broadcast_in_dim3A_5 : vector<16xi1>, vector<16xf32>
          %mul3A_291 = arith.mulf %broadcast_in_dim3A_5, %select_n3A_290 : vector<16xf32>
          %add3A_292 = vector.broadcast %mul3A_207 : i32 to vector<16xi32>
          %add3A_293 = arith.addi %add3A_292, %select_n3A : vector<16xi32>
          %add3A_294 = arith.constant 1 : i32
          %add3A_295 = vector.broadcast %add3A_294 : i32 to vector<16xi32>
          %add3A_296 = arith.addi %add3A_293, %add3A_295 : vector<16xi32>
          %gather3A_297 = tpu.vector_load_idx %arg6[%add3A_296, %add3A_221] : memref<256x256xf32, #tpu.memory_space<vmem>>[vector<16xi32>, vector<16xi32>], vector<16xf32>,
          %broadcast_in_dim3A_298 = arith.constant 1 : i32
          %broadcast_in_dim3A_299 = vector.broadcast %broadcast_in_dim3A_298 : i32 to vector<16xi32>
          %lt3A_300 = arith.cmpi slt, %broadcast_in_dim3A_299, %and3A_239 : vector<16xi32>
          %and3A_301 = arith.andi %eq3A, %lt3A_300 : vector<16xi1>
          %select_n3A_302 = arith.select %and3A_301, %gather3A_297, %broadcast_in_dim3A_5 : vector<16xi1>, vector<16xf32>
          %mul3A_303 = arith.mulf %mul3A_291, %select_n3A_302 : vector<16xf32>
          %add3A_304 = vector.broadcast %mul3A_207 : i32 to vector<16xi32>
          %add3A_305 = arith.addi %add3A_304, %select_n3A : vector<16xi32>
          %add3A_306 = arith.constant 2 : i32
          %add3A_307 = vector.broadcast %add3A_306 : i32 to vector<16xi32>
          %add3A_308 = arith.addi %add3A_305, %add3A_307 : vector<16xi32>
          %gather3A_309 = tpu.vector_load_idx %arg6[%add3A_308, %add3A_221] : memref<256x256xf32, #tpu.memory_space<vmem>>[vector<16xi32>, vector<16xi32>], vector<16xf32>,
          %broadcast_in_dim3A_310 = arith.constant 2 : i32
          %broadcast_in_dim3A_311 = vector.broadcast %broadcast_in_dim3A_310 : i32 to vector<16xi32>
          %lt3A_312 = arith.cmpi slt, %broadcast_in_dim3A_311, %and3A_239 : vector<16xi32>
          %and3A_313 = arith.andi %eq3A, %lt3A_312 : vector<16xi1>
          %select_n3A_314 = arith.select %and3A_313, %gather3A_309, %broadcast_in_dim3A_5 : vector<16xi1>, vector<16xf32>
          %mul3A_315 = arith.mulf %mul3A_303, %select_n3A_314 : vector<16xf32>
          %add3A_316 = vector.broadcast %mul3A_207 : i32 to vector<16xi32>
          %add3A_317 = arith.addi %add3A_316, %select_n3A : vector<16xi32>
          %add3A_318 = arith.constant 3 : i32
          %add3A_319 = vector.broadcast %add3A_318 : i32 to vector<16xi32>
          %add3A_320 = arith.addi %add3A_317, %add3A_319 : vector<16xi32>
          %gather3A_321 = tpu.vector_load_idx %arg6[%add3A_320, %add3A_221] : memref<256x256xf32, #tpu.memory_space<vmem>>[vector<16xi32>, vector<16xi32>], vector<16xf32>,
          %broadcast_in_dim3A_322 = arith.constant 3 : i32
          %broadcast_in_dim3A_323 = vector.broadcast %broadcast_in_dim3A_322 : i32 to vector<16xi32>
          %lt3A_324 = arith.cmpi slt, %broadcast_in_dim3A_323, %and3A_239 : vector<16xi32>
          %and3A_325 = arith.andi %eq3A, %lt3A_324 : vector<16xi1>
          %select_n3A_326 = arith.select %and3A_325, %gather3A_321, %broadcast_in_dim3A_5 : vector<16xi1>, vector<16xf32>
          %mul3A_327 = arith.mulf %mul3A_315, %select_n3A_326 : vector<16xf32>
          %add3A_328 = vector.broadcast %mul3A_207 : i32 to vector<16xi32>
          %add3A_329 = arith.addi %add3A_328, %select_n3A : vector<16xi32>
          %add3A_330 = arith.constant 4 : i32
          %add3A_331 = vector.broadcast %add3A_330 : i32 to vector<16xi32>
          %add3A_332 = arith.addi %add3A_329, %add3A_331 : vector<16xi32>
          %gather3A_333 = tpu.vector_load_idx %arg6[%add3A_332, %add3A_221] : memref<256x256xf32, #tpu.memory_space<vmem>>[vector<16xi32>, vector<16xi32>], vector<16xf32>,
          %broadcast_in_dim3A_334 = arith.constant 4 : i32
          %broadcast_in_dim3A_335 = vector.broadcast %broadcast_in_dim3A_334 : i32 to vector<16xi32>
          %lt3A_336 = arith.cmpi slt, %broadcast_in_dim3A_335, %and3A_239 : vector<16xi32>
          %and3A_337 = arith.andi %eq3A, %lt3A_336 : vector<16xi1>
          %select_n3A_338 = arith.select %and3A_337, %gather3A_333, %broadcast_in_dim3A_5 : vector<16xi1>, vector<16xf32>
          %mul3A_339 = arith.mulf %mul3A_327, %select_n3A_338 : vector<16xf32>
          %add3A_340 = vector.broadcast %mul3A_207 : i32 to vector<16xi32>
          %add3A_341 = arith.addi %add3A_340, %select_n3A : vector<16xi32>
          %add3A_342 = arith.constant 5 : i32
          %add3A_343 = vector.broadcast %add3A_342 : i32 to vector<16xi32>
          %add3A_344 = arith.addi %add3A_341, %add3A_343 : vector<16xi32>
          %gather3A_345 = tpu.vector_load_idx %arg6[%add3A_344, %add3A_221] : memref<256x256xf32, #tpu.memory_space<vmem>>[vector<16xi32>, vector<16xi32>], vector<16xf32>,
          %broadcast_in_dim3A_346 = arith.constant 5 : i32
          %broadcast_in_dim3A_347 = vector.broadcast %broadcast_in_dim3A_346 : i32 to vector<16xi32>
          %lt3A_348 = arith.cmpi slt, %broadcast_in_dim3A_347, %and3A_239 : vector<16xi32>
          %and3A_349 = arith.andi %eq3A, %lt3A_348 : vector<16xi1>
          %select_n3A_350 = arith.select %and3A_349, %gather3A_345, %broadcast_in_dim3A_5 : vector<16xi1>, vector<16xf32>
          %mul3A_351 = arith.mulf %mul3A_339, %select_n3A_350 : vector<16xf32>
          %add3A_352 = vector.broadcast %mul3A_207 : i32 to vector<16xi32>
          %add3A_353 = arith.addi %add3A_352, %select_n3A : vector<16xi32>
          %add3A_354 = arith.constant 6 : i32
          %add3A_355 = vector.broadcast %add3A_354 : i32 to vector<16xi32>
          %add3A_356 = arith.addi %add3A_353, %add3A_355 : vector<16xi32>
          %gather3A_357 = tpu.vector_load_idx %arg6[%add3A_356, %add3A_221] : memref<256x256xf32, #tpu.memory_space<vmem>>[vector<16xi32>, vector<16xi32>], vector<16xf32>,
          %broadcast_in_dim3A_358 = arith.constant 6 : i32
          %broadcast_in_dim3A_359 = vector.broadcast %broadcast_in_dim3A_358 : i32 to vector<16xi32>
          %lt3A_360 = arith.cmpi slt, %broadcast_in_dim3A_359, %and3A_239 : vector<16xi32>
          %and3A_361 = arith.andi %eq3A, %lt3A_360 : vector<16xi1>
          %select_n3A_362 = arith.select %and3A_361, %gather3A_357, %broadcast_in_dim3A_5 : vector<16xi1>, vector<16xf32>
          %mul3A_363 = arith.mulf %mul3A_351, %select_n3A_362 : vector<16xf32>
          %mul3A_364 = arith.mulf %get3A_271, %mul3A_363 : vector<16xf32>
          %add3A_365 = arith.constant 48 : i32
          %add3A_366 = arith.addi %mul3A_249, %add3A_365 : i32
          %get3A_367 = arith.index_cast %add3A_366 : i32 to index
          %get3A_368 = tpu.vector_load %arg8[%get3A_367] {strides = array<i32>} : memref<1280xf32, #tpu.memory_space<vmem>>, vector<16xf32>,
          %shift_right_logical3A_369 = arith.constant 4 : i32
          %shift_right_logical3A_370 = vector.broadcast %shift_right_logical3A_369 : i32 to vector<16xi32>
          %shift_right_logical3A_371 = arith.shrui %shift_right_logical3A_242, %shift_right_logical3A_370 : vector<16xi32>
          %eq3A_372 = arith.cmpi eq, %shift_right_logical3A_371, %add3A_211 : vector<16xi32>
          %and3A_373 = arith.constant 15 : i32
          %and3A_374 = vector.broadcast %and3A_373 : i32 to vector<16xi32>
          %and3A_375 = arith.andi %shift_right_logical3A_242, %and3A_374 : vector<16xi32>
          %mul3A_376 = arith.constant 8 : i32
          %mul3A_377 = vector.broadcast %mul3A_376 : i32 to vector<16xi32>
          %mul3A_378 = arith.muli %and3A_375, %mul3A_377 : vector<16xi32>
          %select_n3A_379 = arith.select %eq3A_372, %mul3A_378, %broadcast_in_dim3A_7 : vector<16xi1>, vector<16xi32>
          %add3A_380 = vector.broadcast %mul3A_207 : i32 to vector<16xi32>
          %add3A_381 = arith.addi %add3A_380, %select_n3A_379 : vector<16xi32>
          %add3A_382 = arith.constant 0 : i32
          %add3A_383 = vector.broadcast %add3A_382 : i32 to vector<16xi32>
          %add3A_384 = arith.addi %add3A_381, %add3A_383 : vector<16xi32>
          %gather3A_385 = tpu.vector_load_idx %arg6[%add3A_384, %add3A_221] : memref<256x256xf32, #tpu.memory_space<vmem>>[vector<16xi32>, vector<16xi32>], vector<16xf32>,
          %broadcast_in_dim3A_386 = arith.constant 0 : i32
          %broadcast_in_dim3A_387 = vector.broadcast %broadcast_in_dim3A_386 : i32 to vector<16xi32>
          %lt3A_388 = arith.cmpi slt, %broadcast_in_dim3A_387, %and3A_245 : vector<16xi32>
          %and3A_389 = arith.andi %eq3A_372, %lt3A_388 : vector<16xi1>
          %select_n3A_390 = arith.select %and3A_389, %gather3A_385, %broadcast_in_dim3A_5 : vector<16xi1>, vector<16xf32>
          %mul3A_391 = arith.mulf %broadcast_in_dim3A_5, %select_n3A_390 : vector<16xf32>
          %add3A_392 = vector.broadcast %mul3A_207 : i32 to vector<16xi32>
          %add3A_393 = arith.addi %add3A_392, %select_n3A_379 : vector<16xi32>
          %add3A_394 = arith.constant 1 : i32
          %add3A_395 = vector.broadcast %add3A_394 : i32 to vector<16xi32>
          %add3A_396 = arith.addi %add3A_393, %add3A_395 : vector<16xi32>
          %gather3A_397 = tpu.vector_load_idx %arg6[%add3A_396, %add3A_221] : memref<256x256xf32, #tpu.memory_space<vmem>>[vector<16xi32>, vector<16xi32>], vector<16xf32>,
          %broadcast_in_dim3A_398 = arith.constant 1 : i32
          %broadcast_in_dim3A_399 = vector.broadcast %broadcast_in_dim3A_398 : i32 to vector<16xi32>
          %lt3A_400 = arith.cmpi slt, %broadcast_in_dim3A_399, %and3A_245 : vector<16xi32>
          %and3A_401 = arith.andi %eq3A_372, %lt3A_400 : vector<16xi1>
          %select_n3A_402 = arith.select %and3A_401, %gather3A_397, %broadcast_in_dim3A_5 : vector<16xi1>, vector<16xf32>
          %mul3A_403 = arith.mulf %mul3A_391, %select_n3A_402 : vector<16xf32>
          %add3A_404 = vector.broadcast %mul3A_207 : i32 to vector<16xi32>
          %add3A_405 = arith.addi %add3A_404, %select_n3A_379 : vector<16xi32>
          %add3A_406 = arith.constant 2 : i32
          %add3A_407 = vector.broadcast %add3A_406 : i32 to vector<16xi32>
          %add3A_408 = arith.addi %add3A_405, %add3A_407 : vector<16xi32>
          %gather3A_409 = tpu.vector_load_idx %arg6[%add3A_408, %add3A_221] : memref<256x256xf32, #tpu.memory_space<vmem>>[vector<16xi32>, vector<16xi32>], vector<16xf32>,
          %broadcast_in_dim3A_410 = arith.constant 2 : i32
          %broadcast_in_dim3A_411 = vector.broadcast %broadcast_in_dim3A_410 : i32 to vector<16xi32>
          %lt3A_412 = arith.cmpi slt, %broadcast_in_dim3A_411, %and3A_245 : vector<16xi32>
          %and3A_413 = arith.andi %eq3A_372, %lt3A_412 : vector<16xi1>
          %select_n3A_414 = arith.select %and3A_413, %gather3A_409, %broadcast_in_dim3A_5 : vector<16xi1>, vector<16xf32>
          %mul3A_415 = arith.mulf %mul3A_403, %select_n3A_414 : vector<16xf32>
          %add3A_416 = vector.broadcast %mul3A_207 : i32 to vector<16xi32>
          %add3A_417 = arith.addi %add3A_416, %select_n3A_379 : vector<16xi32>
          %add3A_418 = arith.constant 3 : i32
          %add3A_419 = vector.broadcast %add3A_418 : i32 to vector<16xi32>
          %add3A_420 = arith.addi %add3A_417, %add3A_419 : vector<16xi32>
          %gather3A_421 = tpu.vector_load_idx %arg6[%add3A_420, %add3A_221] : memref<256x256xf32, #tpu.memory_space<vmem>>[vector<16xi32>, vector<16xi32>], vector<16xf32>,
          %broadcast_in_dim3A_422 = arith.constant 3 : i32
          %broadcast_in_dim3A_423 = vector.broadcast %broadcast_in_dim3A_422 : i32 to vector<16xi32>
          %lt3A_424 = arith.cmpi slt, %broadcast_in_dim3A_423, %and3A_245 : vector<16xi32>
          %and3A_425 = arith.andi %eq3A_372, %lt3A_424 : vector<16xi1>
          %select_n3A_426 = arith.select %and3A_425, %gather3A_421, %broadcast_in_dim3A_5 : vector<16xi1>, vector<16xf32>
          %mul3A_427 = arith.mulf %mul3A_415, %select_n3A_426 : vector<16xf32>
          %add3A_428 = vector.broadcast %mul3A_207 : i32 to vector<16xi32>
          %add3A_429 = arith.addi %add3A_428, %select_n3A_379 : vector<16xi32>
          %add3A_430 = arith.constant 4 : i32
          %add3A_431 = vector.broadcast %add3A_430 : i32 to vector<16xi32>
          %add3A_432 = arith.addi %add3A_429, %add3A_431 : vector<16xi32>
          %gather3A_433 = tpu.vector_load_idx %arg6[%add3A_432, %add3A_221] : memref<256x256xf32, #tpu.memory_space<vmem>>[vector<16xi32>, vector<16xi32>], vector<16xf32>,
          %broadcast_in_dim3A_434 = arith.constant 4 : i32
          %broadcast_in_dim3A_435 = vector.broadcast %broadcast_in_dim3A_434 : i32 to vector<16xi32>
          %lt3A_436 = arith.cmpi slt, %broadcast_in_dim3A_435, %and3A_245 : vector<16xi32>
          %and3A_437 = arith.andi %eq3A_372, %lt3A_436 : vector<16xi1>
          %select_n3A_438 = arith.select %and3A_437, %gather3A_433, %broadcast_in_dim3A_5 : vector<16xi1>, vector<16xf32>
          %mul3A_439 = arith.mulf %mul3A_427, %select_n3A_438 : vector<16xf32>
          %add3A_440 = vector.broadcast %mul3A_207 : i32 to vector<16xi32>
          %add3A_441 = arith.addi %add3A_440, %select_n3A_379 : vector<16xi32>
          %add3A_442 = arith.constant 5 : i32
          %add3A_443 = vector.broadcast %add3A_442 : i32 to vector<16xi32>
          %add3A_444 = arith.addi %add3A_441, %add3A_443 : vector<16xi32>
          %gather3A_445 = tpu.vector_load_idx %arg6[%add3A_444, %add3A_221] : memref<256x256xf32, #tpu.memory_space<vmem>>[vector<16xi32>, vector<16xi32>], vector<16xf32>,
          %broadcast_in_dim3A_446 = arith.constant 5 : i32
          %broadcast_in_dim3A_447 = vector.broadcast %broadcast_in_dim3A_446 : i32 to vector<16xi32>
          %lt3A_448 = arith.cmpi slt, %broadcast_in_dim3A_447, %and3A_245 : vector<16xi32>
          %and3A_449 = arith.andi %eq3A_372, %lt3A_448 : vector<16xi1>
          %select_n3A_450 = arith.select %and3A_449, %gather3A_445, %broadcast_in_dim3A_5 : vector<16xi1>, vector<16xf32>
          %mul3A_451 = arith.mulf %mul3A_439, %select_n3A_450 : vector<16xf32>
          %add3A_452 = vector.broadcast %mul3A_207 : i32 to vector<16xi32>
          %add3A_453 = arith.addi %add3A_452, %select_n3A_379 : vector<16xi32>
          %add3A_454 = arith.constant 6 : i32
          %add3A_455 = vector.broadcast %add3A_454 : i32 to vector<16xi32>
          %add3A_456 = arith.addi %add3A_453, %add3A_455 : vector<16xi32>
          %gather3A_457 = tpu.vector_load_idx %arg6[%add3A_456, %add3A_221] : memref<256x256xf32, #tpu.memory_space<vmem>>[vector<16xi32>, vector<16xi32>], vector<16xf32>,
          %broadcast_in_dim3A_458 = arith.constant 6 : i32
          %broadcast_in_dim3A_459 = vector.broadcast %broadcast_in_dim3A_458 : i32 to vector<16xi32>
          %lt3A_460 = arith.cmpi slt, %broadcast_in_dim3A_459, %and3A_245 : vector<16xi32>
          %and3A_461 = arith.andi %eq3A_372, %lt3A_460 : vector<16xi1>
          %select_n3A_462 = arith.select %and3A_461, %gather3A_457, %broadcast_in_dim3A_5 : vector<16xi1>, vector<16xf32>
          %mul3A_463 = arith.mulf %mul3A_451, %select_n3A_462 : vector<16xf32>
          %mul3A_464 = arith.mulf %get3A_368, %mul3A_463 : vector<16xf32>
          %add3A_465 = arith.constant 32 : i32
          %add3A_466 = arith.addi %mul3A_249, %add3A_465 : i32
          %swap3A_467 = arith.index_cast %add3A_466 : i32 to index
          %swap3A_468 = tpu.vector_load %arg8[%swap3A_467] {strides = array<i32>} : memref<1280xf32, #tpu.memory_space<vmem>>, vector<16xf32>,
          tpu.vector_store %arg8[%swap3A_467], %mul3A_364 {strides = array<i32>} : memref<1280xf32, #tpu.memory_space<vmem>>, vector<16xf32>,
          %add3A_469 = arith.constant 48 : i32
          %add3A_470 = arith.addi %mul3A_249, %add3A_469 : i32
          %swap3A_471 = arith.index_cast %add3A_470 : i32 to index
          %swap3A_472 = tpu.vector_load %arg8[%swap3A_471] {strides = array<i32>} : memref<1280xf32, #tpu.memory_space<vmem>>, vector<16xf32>,
          tpu.vector_store %arg8[%swap3A_471], %mul3A_464 {strides = array<i32>} : memref<1280xf32, #tpu.memory_space<vmem>>, vector<16xf32>,
          %shift_right_logical3A_473 = arith.constant 7 : i32
          %shift_right_logical3A_474 = vector.broadcast %shift_right_logical3A_473 : i32 to vector<16xi32>
          %shift_right_logical3A_475 = arith.shrui %convert_element_type3A_227, %shift_right_logical3A_474 : vector<16xi32>
          %eq3A_476 = arith.cmpi eq, %shift_right_logical3A_475, %add3A_211 : vector<16xi32>
          %and3A_477 = arith.constant 127 : i32
          %and3A_478 = vector.broadcast %and3A_477 : i32 to vector<16xi32>
          %and3A_479 = arith.andi %convert_element_type3A_227, %and3A_478 : vector<16xi32>
          %select_n3A_480 = arith.select %eq3A_476, %and3A_479, %broadcast_in_dim3A_7 : vector<16xi1>, vector<16xi32>
          %add3A_481 = vector.broadcast %mul3A_207 : i32 to vector<16xi32>
          %add3A_482 = arith.addi %add3A_481, %select_n3A_480 : vector<16xi32>
          %gather3A_483 = tpu.vector_load_idx %arg6[%add3A_482, %add3A_221] : memref<256x256xf32, #tpu.memory_space<vmem>>[vector<16xi32>, vector<16xi32>], vector<16xf32>,
          %add3A_484 = arith.constant 64 : i32
          %add3A_485 = arith.addi %mul3A_249, %add3A_484 : i32
          %get3A_486 = arith.index_cast %add3A_485 : i32 to index
          %get3A_487 = tpu.vector_load %arg8[%get3A_486] {strides = array<i32>} : memref<1280xf32, #tpu.memory_space<vmem>>, vector<16xf32>,
          %select_n3A_488 = arith.select %eq3A_476, %gather3A_483, %get3A_487 : vector<16xi1>, vector<16xf32>
          %add3A_489 = arith.constant 64 : i32
          %add3A_490 = arith.addi %mul3A_249, %add3A_489 : i32
          %swap3A_491 = arith.index_cast %add3A_490 : i32 to index
          %swap3A_492 = tpu.vector_load %arg8[%swap3A_491] {strides = array<i32>} : memref<1280xf32, #tpu.memory_space<vmem>>, vector<16xf32>,
          tpu.vector_store %arg8[%swap3A_491], %select_n3A_488 {strides = array<i32>} : memref<1280xf32, #tpu.memory_space<vmem>>, vector<16xf32>,
        }
        %scan3A_216 = arith.constant 16 : i32
      }
      %scan3A_181 = arith.constant 16 : i32
      %scan3A_182 = arith.constant 0 : i32
      %scan3A_183 = arith.constant 16 : i32
      %scan3A_184 = arith.addi %scan3A_182, %scan3A_183 : i32
      %scan3A_185 = arith.constant 1 : i32
      scf.for %scan3A_187 = %scan3A_182 to %scan3A_184 step %scan3A_185  : i32 {
        %mul3A_188 = arith.constant 5 : i32
        %mul3A_189 = arith.muli %scan3A_187, %mul3A_188 : i32
        %mul3A_190 = arith.constant 16 : i32
        %mul3A_191 = arith.muli %mul3A_189, %mul3A_190 : i32
        %get3A = arith.index_cast %mul3A_191 : i32 to index
        %get3A_192 = tpu.vector_load %arg8[%get3A] {strides = array<i32>} : memref<1280xf32, #tpu.memory_space<vmem>>, vector<16xf32>,
        %add3A_193 = arith.constant 32 : i32
        %add3A_194 = arith.addi %mul3A_191, %add3A_193 : i32
        %get3A_195 = arith.index_cast %add3A_194 : i32 to index
        %get3A_196 = tpu.vector_load %arg8[%get3A_195] {strides = array<i32>} : memref<1280xf32, #tpu.memory_space<vmem>>, vector<16xf32>,
        %mul3A_197 = arith.mulf %get3A_192, %get3A_196 : vector<16xf32>
        %mul3A_198 = arith.constant 16 : i32
        %mul3A_199 = arith.muli %scan3A_187, %mul3A_198 : i32
        %swap3A_200 = arith.index_cast %mul3A_199 : i32 to index
        %swap3A_201 = tpu.vector_load %arg9[%swap3A_200] {strides = array<i32>} : memref<256xf32, #tpu.memory_space<vmem>>, vector<16xf32>,
        tpu.vector_store %arg9[%swap3A_200], %mul3A_197 {strides = array<i32>} : memref<256xf32, #tpu.memory_space<vmem>>, vector<16xf32>,
        %add3A_202 = arith.constant 16 : i32
        %add3A_203 = arith.addi %mul3A_191, %add3A_202 : i32
        %get3A_204 = arith.index_cast %add3A_203 : i32 to index
        %get3A_205 = tpu.vector_load %arg8[%get3A_204] {strides = array<i32>} : memref<1280xf32, #tpu.memory_space<vmem>>, vector<16xf32>,
        %add3A_206 = arith.constant 48 : i32
        %add3A_207 = arith.addi %mul3A_191, %add3A_206 : i32
        %get3A_208 = arith.index_cast %add3A_207 : i32 to index
        %get3A_209 = tpu.vector_load %arg8[%get3A_208] {strides = array<i32>} : memref<1280xf32, #tpu.memory_space<vmem>>, vector<16xf32>,
        %mul3A_210 = arith.mulf %get3A_205, %get3A_209 : vector<16xf32>
        %mul3A_211 = arith.constant 16 : i32
        %mul3A_212 = arith.muli %scan3A_187, %mul3A_211 : i32
        %swap3A_213 = arith.index_cast %mul3A_212 : i32 to index
        %swap3A_214 = tpu.vector_load %arg10[%swap3A_213] {strides = array<i32>} : memref<256xf32, #tpu.memory_space<vmem>>, vector<16xf32>,
        tpu.vector_store %arg10[%swap3A_213], %mul3A_210 {strides = array<i32>} : memref<256xf32, #tpu.memory_space<vmem>>, vector<16xf32>,
        %add3A_215 = arith.constant 64 : i32
        %add3A_216 = arith.addi %mul3A_191, %add3A_215 : i32
        %get3A_217 = arith.index_cast %add3A_216 : i32 to index
        %get3A_218 = tpu.vector_load %arg8[%get3A_217] {strides = array<i32>} : memref<1280xf32, #tpu.memory_space<vmem>>, vector<16xf32>,
        %mul3A_219 = arith.constant 16 : i32
        %mul3A_220 = arith.muli %scan3A_187, %mul3A_219 : i32
        %swap3A_221 = arith.index_cast %mul3A_220 : i32 to index
        %swap3A_222 = tpu.vector_load %arg11[%swap3A_221] {strides = array<i32>} : memref<256xf32, #tpu.memory_space<vmem>>, vector<16xf32>,
        tpu.vector_store %arg11[%swap3A_221], %get3A_218 {strides = array<i32>} : memref<256xf32, #tpu.memory_space<vmem>>, vector<16xf32>,
      }
      %scan3A_186 = arith.constant 16 : i32
      "tpu.region"() ({
        %run_scoped3A = tpu.sem_alloc : memref<!tpu.dma_semaphore, #tpu.memory_space<semaphore_mem>>
        %dma_start3A_187 = arith.constant 0 : i32
        %dma_start3A_188 = tpu.memref_slice %arg9[%dma_start3A_187] : memref<256xf32, #tpu.memory_space<vmem>> -> memref<256xf32, #tpu.memory_space<vmem>>
        %dma_start3A_189 = tpu.memref_slice %arg3[%mul3A_4] : memref<4096xf32, #tpu.memory_space<hbm>> -> memref<256xf32, #tpu.memory_space<hbm>>
        %dma_start3A_190 = tpu.memref_slice %arg3[%mul3A_4] : memref<4096xf32, #tpu.memory_space<hbm>> -> memref<256xf32, #tpu.memory_space<hbm>>
        %dma_start3A_191 = arith.constant 0 : i32
        %dma_start3A_192 = tpu.memref_slice %arg9[%dma_start3A_191] : memref<256xf32, #tpu.memory_space<vmem>> -> memref<256xf32, #tpu.memory_space<vmem>>
        tpu.enqueue_dma source(%dma_start3A_192 : memref<256xf32, #tpu.memory_space<vmem>>) target(%dma_start3A_190 : memref<256xf32, #tpu.memory_space<hbm>>) target_semaphore(%run_scoped3A : memref<!tpu.dma_semaphore, #tpu.memory_space<semaphore_mem>>)
        %dma_wait3A = arith.constant 0 : i32
        %dma_wait3A_193 = tpu.memref_slice %arg9[%dma_wait3A] : memref<256xf32, #tpu.memory_space<vmem>> -> memref<256xf32, #tpu.memory_space<vmem>>
        %dma_wait3A_194 = tpu.memref_slice %arg3[%mul3A_4] : memref<4096xf32, #tpu.memory_space<hbm>> -> memref<256xf32, #tpu.memory_space<hbm>>
        %dma_wait3A_195 = tpu.memref_slice %arg3[%mul3A_4] : memref<4096xf32, #tpu.memory_space<hbm>> -> memref<256xf32, #tpu.memory_space<hbm>>
        %dma_wait3A_196 = arith.constant 0 : i32
        %dma_wait3A_197 = tpu.memref_slice %arg9[%dma_wait3A_196] : memref<256xf32, #tpu.memory_space<vmem>> -> memref<256xf32, #tpu.memory_space<vmem>>
        tpu.wait_dma2 semaphore(%run_scoped3A : memref<!tpu.dma_semaphore, #tpu.memory_space<semaphore_mem>>) src(%dma_wait3A_197 : memref<256xf32, #tpu.memory_space<vmem>>) dst(%dma_wait3A_195 : memref<256xf32, #tpu.memory_space<hbm>>)
        tpu.yield
      }) : () -> ()
      "tpu.region"() ({
        %run_scoped3A = tpu.sem_alloc : memref<!tpu.dma_semaphore, #tpu.memory_space<semaphore_mem>>
        %dma_start3A_187 = arith.constant 0 : i32
        %dma_start3A_188 = tpu.memref_slice %arg10[%dma_start3A_187] : memref<256xf32, #tpu.memory_space<vmem>> -> memref<256xf32, #tpu.memory_space<vmem>>
        %dma_start3A_189 = tpu.memref_slice %arg4[%mul3A_4] : memref<4096xf32, #tpu.memory_space<hbm>> -> memref<256xf32, #tpu.memory_space<hbm>>
        %dma_start3A_190 = tpu.memref_slice %arg4[%mul3A_4] : memref<4096xf32, #tpu.memory_space<hbm>> -> memref<256xf32, #tpu.memory_space<hbm>>
        %dma_start3A_191 = arith.constant 0 : i32
        %dma_start3A_192 = tpu.memref_slice %arg10[%dma_start3A_191] : memref<256xf32, #tpu.memory_space<vmem>> -> memref<256xf32, #tpu.memory_space<vmem>>
        tpu.enqueue_dma source(%dma_start3A_192 : memref<256xf32, #tpu.memory_space<vmem>>) target(%dma_start3A_190 : memref<256xf32, #tpu.memory_space<hbm>>) target_semaphore(%run_scoped3A : memref<!tpu.dma_semaphore, #tpu.memory_space<semaphore_mem>>)
        %dma_wait3A = arith.constant 0 : i32
        %dma_wait3A_193 = tpu.memref_slice %arg10[%dma_wait3A] : memref<256xf32, #tpu.memory_space<vmem>> -> memref<256xf32, #tpu.memory_space<vmem>>
        %dma_wait3A_194 = tpu.memref_slice %arg4[%mul3A_4] : memref<4096xf32, #tpu.memory_space<hbm>> -> memref<256xf32, #tpu.memory_space<hbm>>
        %dma_wait3A_195 = tpu.memref_slice %arg4[%mul3A_4] : memref<4096xf32, #tpu.memory_space<hbm>> -> memref<256xf32, #tpu.memory_space<hbm>>
        %dma_wait3A_196 = arith.constant 0 : i32
        %dma_wait3A_197 = tpu.memref_slice %arg10[%dma_wait3A_196] : memref<256xf32, #tpu.memory_space<vmem>> -> memref<256xf32, #tpu.memory_space<vmem>>
        tpu.wait_dma2 semaphore(%run_scoped3A : memref<!tpu.dma_semaphore, #tpu.memory_space<semaphore_mem>>) src(%dma_wait3A_197 : memref<256xf32, #tpu.memory_space<vmem>>) dst(%dma_wait3A_195 : memref<256xf32, #tpu.memory_space<hbm>>)
        tpu.yield
      }) : () -> ()
      "tpu.region"() ({
        %run_scoped3A = tpu.sem_alloc : memref<!tpu.dma_semaphore, #tpu.memory_space<semaphore_mem>>
        %dma_start3A_187 = arith.constant 0 : i32
        %dma_start3A_188 = tpu.memref_slice %arg11[%dma_start3A_187] : memref<256xf32, #tpu.memory_space<vmem>> -> memref<256xf32, #tpu.memory_space<vmem>>
        %dma_start3A_189 = tpu.memref_slice %arg5[%mul3A_4] : memref<4096xf32, #tpu.memory_space<hbm>> -> memref<256xf32, #tpu.memory_space<hbm>>
        %dma_start3A_190 = tpu.memref_slice %arg5[%mul3A_4] : memref<4096xf32, #tpu.memory_space<hbm>> -> memref<256xf32, #tpu.memory_space<hbm>>
        %dma_start3A_191 = arith.constant 0 : i32
        %dma_start3A_192 = tpu.memref_slice %arg11[%dma_start3A_191] : memref<256xf32, #tpu.memory_space<vmem>> -> memref<256xf32, #tpu.memory_space<vmem>>
        tpu.enqueue_dma source(%dma_start3A_192 : memref<256xf32, #tpu.memory_space<vmem>>) target(%dma_start3A_190 : memref<256xf32, #tpu.memory_space<hbm>>) target_semaphore(%run_scoped3A : memref<!tpu.dma_semaphore, #tpu.memory_space<semaphore_mem>>)
        %dma_wait3A = arith.constant 0 : i32
        %dma_wait3A_193 = tpu.memref_slice %arg11[%dma_wait3A] : memref<256xf32, #tpu.memory_space<vmem>> -> memref<256xf32, #tpu.memory_space<vmem>>
        %dma_wait3A_194 = tpu.memref_slice %arg5[%mul3A_4] : memref<4096xf32, #tpu.memory_space<hbm>> -> memref<256xf32, #tpu.memory_space<hbm>>
        %dma_wait3A_195 = tpu.memref_slice %arg5[%mul3A_4] : memref<4096xf32, #tpu.memory_space<hbm>> -> memref<256xf32, #tpu.memory_space<hbm>>
        %dma_wait3A_196 = arith.constant 0 : i32
        %dma_wait3A_197 = tpu.memref_slice %arg11[%dma_wait3A_196] : memref<256xf32, #tpu.memory_space<vmem>> -> memref<256xf32, #tpu.memory_space<vmem>>
        tpu.wait_dma2 semaphore(%run_scoped3A : memref<!tpu.dma_semaphore, #tpu.memory_space<semaphore_mem>>) src(%dma_wait3A_197 : memref<256xf32, #tpu.memory_space<vmem>>) dst(%dma_wait3A_195 : memref<256xf32, #tpu.memory_space<hbm>>)
        tpu.yield
      }) : () -> ()
    } else {
    }
    return
  }
}

</mosaic_0001>

<sc_bundles>
// kernel: kernel.3.cloned.1.call-start
scs
__scs_entry_jumppad:
0x0: {  	(pc) =	sbr.rel $0x88, $3  }
0x1: {  	(tag) =	ssettag $0x0;
	lr =	simm.s32 $0x1  }
0x2: {  	[smem:$0x3FA0] =	sst lr;
	_ =	strace $0xD0000000  }
0x3: {  	_ = 	snop  }
0x4: {  	_ = 	snop  }
0x5: {  	_ = 	snop  }
0x6: {  	_ = 	snop  }
0x7: {  	_ = 	snop  }
__scs_overlays_trampoline_lowered:
0x8: {  	[smem:$0x3FAF] =	sst s0  }
0x9: {  	[smem:$0x3FB0] =	sst s1  }
0xa: {  	[smem:$0x3FB1] =	sst s2  }
0xb: {  	[smem:$0x3FB2] =	sst s3  }
0xc: {  	[smem:$0x3FB3] =	sst s4  }
0xd: {  	[smem:$0x3FB4] =	sst s5  }
0xe: {  	[smem:$0x3FB5] =	sst s6  }
0xf: {  	[smem:$0x3FB6] =	sst s7  }
0x10: {  	[smem:$0x3FB7] =	sst s8  }
0x11: {  	[smem:$0x3FB8] =	sst s9;
	s0 =	simm.s32 @!p0 $0x0  }
0x12: {  	s1 =	sld [smem:$0x3F9E];
	s0 =	simm.s32 @p0 $0x1  }
0x13: {  	[smem:$0x3FB9] =	sst s0;
	s0 =	simm.s32 @!p1 $0x0  }
0x14: {  	s2 =	sld [smem:$0x3F9D];
	s0 =	simm.s32 @p1 $0x1  }
0x15: {  	[smem:$0x3FBA] =	sst s0;
	s0 =	simm.s32 @!p2 $0x0  }
0x16: {  	s3 =	sld [smem:$0x3FDB];
	s0 =	simm.s32 @p2 $0x1  }
0x17: {  	s4 =	simm.s32 $0x1BF5;
	[smem:$0x3FBC] =	sst s0  }
0x18: {  	s0 =	sld [smem:$0x3F9F];
	_ =	swait.ge [sflag:s4], $0x0  }
0x19: {  	s7 =	sld [smem:$0x3FA0]  }
0x1a: {  	s8 =	sadd.s32 $0xFFFFE003, lr  }
0x1b: {  	s9 =	sadd.s32 $0xFFFFFEF7, lr;
	s5 =	simm.s32 $0xFFFFFFFF;
	p2 =	slt.u32 s8, $0xFFFFF086  }
0x1c: {  	p1 =	slt.u32 s9, $0xF7A;
	s5 =	simm.s32 @!p2 $0x0  }
0x1d: {  	s5 =	simm.s32 @p1 $0x1;
	p0 =	seq.s32 s7, s2  }
0x1e: {  	s7 =	smul.u32 @!p0 $0xF7A, s2;
	p2 =	seq.s32 @!p0 s5, $0x0  }
0x1f: {  	s9 =	smul.u32 $0xF7A, s1;
	s8 =	simm.s32 @!p0 $0x1BF5;
	p2 =	por !p2, p0  }
0x20: {  	[sflag:s8] =	ssyncset.s32 @!p0 $0xFFFFF086;
	s6 =	sadd.s32 @!p0 s3, s7;
	s7 =	simm.s32 @!p0 $0x108  }
0x21: {  	s3 =	sadd.s32 s3, s9;
	s6 =	sadd.s32 @!p0 $0x88, s6;
	s7 =	simm.s32 @p2 $0x1082  }
0x22: {  	[simem:s7], [sflag:s8] =	dma.local @!p0 [hbm:s6], $0xF7A  }
0x23: {  	s9 =	sor.u32 $0xD0000000, s2;
	s6 =	simm.s32 $0x108;
	_ =	swait.ge @!p0 [sflag:s8], $0x0  }
0x24: {  	s3 =	sadd.s32 $0x88, s3;
	s6 =	simm.s32 @!p1 $0x1082;
	[sflag:s4] =	ssyncset.s32 $0xFFFFF086  }
0x25: {  	[simem:s6], [sflag:s4] =	dma.local [hbm:s3], $0xF7A  }
0x26: {  	[smem:$0x3FA0] =	sst s1;
	(tag) =	ssettag s2;
	_ =	strace s9  }
0x27: {  	s1 =	sld [smem:$0x3FB0]  }
0x28: {  	s2 =	sld [smem:$0x3FB1]  }
0x29: {  	s4 =	sld [smem:$0x3FB3]  }
0x2a: {  	p0 =	seq.s32 s5, $0x0;
	s5 =	sld [smem:$0x3FB4]  }
0x2b: {  	s6 =	sld [smem:$0x3FB5]  }
0x2c: {  	s7 =	sld [smem:$0x3FB6]  }
0x2d: {  	s3 =	simm.s32 $0x108;
	s8 =	sld [smem:$0x3FB7]  }
0x2e: {  	s3 =	simm.s32 @!p0 $0x1082;
	s9 =	sld [smem:$0x3FB8]  }
0x2f: {  	lr =	sadd.s32 s0, s3;
	s0 =	sld [smem:$0x3FAF]  }
0x30: {  	s3 =	sld [smem:$0x3FB2]  }
0x31: {  	[smem:$0x3FBB] =	sst s10  }
0x32: {  	s10 =	sld [smem:$0x3FB9];
	_ =	sdelay $0x3  }
0x33: {  	p0 =	seq.s32 s10, $0x1;
	s10 =	sld [smem:$0x3FBB];
	_ =	sdelay $0x3  }
0x34: {  	[smem:$0x3FBB] =	sst s10  }
0x35: {  	s10 =	sld [smem:$0x3FBA];
	_ =	sdelay $0x3  }
0x36: {  	p1 =	seq.s32 s10, $0x1;
	s10 =	sld [smem:$0x3FBB];
	_ =	sdelay $0x3  }
0x37: {  	[smem:$0x3FBB] =	sst s10  }
0x38: {  	s10 =	sld [smem:$0x3FBC]  }
0x39: {  	_ = 	snop;
	(pc) =	sbr.ind lr, $3  }
0x3a: {  	_ = 	snop  }
0x3b: {  	_ = 	snop  }
0x3c: {  	p2 =	seq.s32 s10, $0x1;
	s10 =	sld [smem:$0x3FBB]  }
0x3d: {  	_ =	shalt  }
0x3e: {  	_ =	shalt  }
0x3f: {  	_ =	shalt  }
0x40: {  	_ =	shalt  }
0x41: {  	_ =	shalt  }
0x42: {  	_ =	shalt  }
0x43: {  	_ =	shalt  }
0x44: {  	_ =	shalt  }
0x45: {  	_ =	shalt  }
0x46: {  	_ =	shalt  }
0x47: {  	_ =	shalt  }
0x48: {  	_ =	shalt  }
0x49: {  	_ =	shalt  }
0x4a: {  	_ =	shalt  }
0x4b: {  	_ =	shalt  }
0x4c: {  	_ =	shalt  }
0x4d: {  	_ =	shalt  }
0x4e: {  	_ =	shalt  }
0x4f: {  	_ =	shalt  }
0x50: {  	_ =	shalt  }
0x51: {  	_ =	shalt  }
0x52: {  	_ =	shalt  }
0x53: {  	_ =	shalt  }
0x54: {  	_ =	shalt  }
0x55: {  	_ =	shalt  }
0x56: {  	_ =	shalt  }
0x57: {  	_ =	shalt  }
0x58: {  	_ =	shalt  }
0x59: {  	_ =	shalt  }
0x5a: {  	_ =	shalt  }
0x5b: {  	_ =	shalt  }
0x5c: {  	_ =	shalt  }
0x5d: {  	_ =	shalt  }
0x5e: {  	_ =	shalt  }
0x5f: {  	_ =	shalt  }
0x60: {  	_ =	shalt  }
0x61: {  	_ =	shalt  }
0x62: {  	_ =	shalt  }
0x63: {  	_ =	shalt  }
0x64: {  	_ =	shalt  }
0x65: {  	_ =	shalt  }
0x66: {  	_ =	shalt  }
0x67: {  	_ =	shalt  }
0x68: {  	_ =	shalt  }
0x69: {  	_ =	shalt  }
0x6a: {  	_ =	shalt  }
0x6b: {  	_ =	shalt  }
0x6c: {  	_ =	shalt  }
0x6d: {  	_ =	shalt  }
0x6e: {  	_ =	shalt  }
0x6f: {  	_ =	shalt  }
0x70: {  	_ =	shalt  }
0x71: {  	_ =	shalt  }
0x72: {  	_ =	shalt  }
0x73: {  	_ =	shalt  }
0x74: {  	_ =	shalt  }
0x75: {  	_ =	shalt  }
0x76: {  	_ =	shalt  }
0x77: {  	_ =	shalt  }
0x78: {  	_ =	shalt  }
0x79: {  	_ =	shalt  }
0x7a: {  	_ =	shalt  }
0x7b: {  	_ =	shalt  }
0x7c: {  	_ =	shalt  }
0x7d: {  	_ =	shalt  }
0x7e: {  	_ =	shalt  }
0x7f: {  	_ =	shalt  }
0x80: {  	_ =	shalt  }
0x81: {  	_ =	shalt  }
0x82: {  	_ =	shalt  }
0x83: {  	_ =	shalt  }
0x84: {  	_ =	shalt  }
0x85: {  	_ =	shalt  }
0x86: {  	_ =	shalt  }
0x87: {  	_ =	shalt  }
.Lfunc_end0:
.L_simem_size_0:
called_computation_lowered:
.L_overlay_start_0:
0x88: {  	s2 =	sld [smem:$0x3FD9]  }
0x89: {  	s3 =	sld [smem:$0x3FFE];
	_ =	sdelay $0x1  }
0x8a: {  	s1 =	srdreg.scid  }
0x8b: {  	s0 =	sand.u32 $0x1, s1  }
0x8c: {  	s14 =	sshll.u32 s0, $0xA;
	s2 =	sadd.s32 s3, s2  }
0x8d: {  	s2 =	sadd.s32 s2, s14  }
0x8e: {  	[smem:$0x3FC7] =	sst s2  }
0x8f: {  	_ = 	snop  }
0x90: {  	s2 =	sld [smem:$0x3FD0];
	_ =	sdelay $0x2  }
0x91: {  	s4 =	simm.s32 $0xA;
	s5 =	simm.s32 $0x10;
	s15 =	sld [smem:$0x3FC9]  }
0x92: {  	[smem:s5], [sflag:s4] =	dma.local [hbm:s2], $0x1  }
0x93: {  	_ =	swait.eq [sflag:s4], $0x1  }
0x94: {  	[sflag:s4] =	ssyncset.done $0x0  }
0x95: {  	s16 =	sld [smem:$0x10];
	[sflag:s4] =	ssyncadd.s32 $0xFFFFFFFF  }
0x96: {  	s17 =	sld [smem:$0x11];
	(tm) =	ssettm $0x1  }
0x97: {  	s18 =	sld [smem:$0x3FFB];
	_ =	sdelay $0x3  }
0x98: {  	_ =	strace s18  }
0x99: {  	s5 =	sld [smem:$0x3FFC];
	_ =	sdelay $0x3  }
0x9a: {  	_ =	strace s5  }
0x9b: {  	s5 =	sld [smem:$0x3FFD];
	_ =	sdelay $0x3  }
0x9c: {  	_ =	strace s5  }
0x9d: {  	_ =	strace $0x8FFFFFFF  }
0x9e: {  	s19 =	sld [smem:$0x3FDB];
	_ =	sdelay $0x1  }
0x9f: {  	s6 =	simm.s32 $_scs_section_size  }
0xa0: {  	s7 =	simm.s32 $_size__tile_overlayer_lowered;
	s8 =	simm.s32 $_tile_overlayer_lowered  }
0xa1: {  	s22 =	simm.s32 $0x1BFF;
	s21 =	sshll.u32 s8, $0x1;
	s5 =	sadd.s32 s6, s19  }
0xa2: {  	s9 =	simm.s32 $0x0;
	s20 =	sshll.u32 s7, $0x1;
	s7 =	sadd.s32 s21, s5  }
0xa3: {  	[timem:s9], [sflag:s22] =	dma.local [hbm:s7], s20  }
0xa4: {  	_ =	swait.ge [sflag:s22], s20  }
0xa5: {  	s6 =	ssub.s32 $0x0, s20;
	[sflag:s22] =	ssyncset.done $0x0  }
0xa6: {  	[sflag:s22] =	ssyncadd.s32 s6;
	_ =	sdelay $0x1  }
0xa7: {  	s23 =	simm.s32 $0x1B8B  }
0xa8: {  	_ =	swait.ge [sflag:s23], $0x1  }
0xa9: {  	[sflag:s23] =	ssyncset.done $0x0  }
0xaa: {  	s25 =	simm.s32 $0x1B8E;
	s24 =	sld [smem:$0x3FFE];
	[sflag:s23] =	ssyncadd.s32 $0xFFFFFFFF  }
0xab: {  	s26 =	simm.s32 $execute0_lowered;
	[smem:$0x3FD2] =	sst s25  }
0xac: {  	s7 =	sshll.u32 s26, $0x1;
	_ =	strace $0x80000046;
	[dreg:$0x1] =	wrdreg $0xFFFFFFFF  }
0xad: {  	s28 =	simm.s32 $_size_execute0_lowered;
	s5 =	sadd.s32 s5, s7;
	[dreg:$0x0] =	wrdreg $0x0  }
0xae: {  	s7 =	sshll.u32 s28, $0x1;
	[dreg:$0x2] =	wrdreg s5  }
0xaf: {  	[dreg:$0x3] =	wrdreg s7  }
0xb0: {  	[dreg:$0x4] =	wrdreg $0xC0  }
0xb1: {  	_ =	task [dreg:s9], $0x5FFFF  }
0xb2: {  	[dreg:$0x1] =	wrdreg $0xFFFFFFFF  }
0xb3: {  	[dreg:$0x0] =	wrdreg $0x60  }
0xb4: {  	[dreg:$0x2] =	wrdreg s15  }
0xb5: {  	[dreg:$0x3] =	wrdreg s16  }
0xb6: {  	[dreg:$0x4] =	wrdreg s17  }
0xb7: {  	[dreg:$0x5] =	wrdreg s24  }
0xb8: {  	[dreg:$0x6] =	wrdreg $0x9  }
0xb9: {  	_ =	task.clear_ibuf [dreg:s9], $0x7FFFF;
	_ =	strace $0x90000046  }
0xba: {  	s29 =	simm.s32 $0x9;
	_ =	strace $0x80000048  }
0xbb: {  	_ =	swait.ge [sflag:s29], $0x1  }
0xbc: {  	[sflag:s29] =	ssyncadd.s32 $0xFFFFFFFF  }
0xbd: {  	_ =	strace $0x90000048  }
0xbe: {  	_ =	sfence  }
0xbf: {  	s30 =	sld [smem:$0x0];
	_ =	sdelay $0x2  }
0xc0: {  	s31 =	sshll.u32 s1, $0xD;
	s1 =	sshrl.u32 s1, $0x2  }
0xc1: {  	s3 =	sand.u32 $0x4000, s31;
	s1 =	sadd.s32 s1, s30  }
0xc2: {  	s0 =	sor.u32 s3, s0;
	s1 =	sshll.u32 s1, $0x11  }
0xc3: {  	s0 =	sor.u32 s1, s0  }
0xc4: {  	s0 =	sadd.s32 $0x8F2B, s0  }
0xc5: {  	[sflag:s0] =	ssyncadd.remote.s32 $0x1  }
0xc6: {  	_ =	sfence.sel $0xFFFF  }
0xc7: {  	[dreg:$0x0] =	wrdreg $0xFFFFFFFF;
	(pc) =	sbr.abs _section_cstart, $3  }
0xc8: {  	[dreg:$0x1] =	wrdreg $0xFFFFFFFF  }
0xc9: {  	_ =	task.clear_ibuf [dreg:s9], $0x2FFFF;
	_ =	strace $0x9FFFFFFF  }
0xca: {  	(tm) =	ssettm $0x7FFFFFFF  }
0xcb: {  	_ =	shalt  }
tec
execute0_lowered:
.L_overlay_start_1:
0x0: {  	(tag) =	ssettag $0x1  }
0x1: {  	s1 =	stileid.u32  }
0x2: {  	s6 =	rddreg [dreg:$0x0];
	p0 =	sgt.u32 s1, $0x7  }
.Ltmp0:
0x3: {  	s4 =	rddreg [dreg:$0x1];
	(pc) =	sbr.rel @p0 .LBB2_11-.Ltmp0, $4  }
0x4: {  	s5 =	rddreg [dreg:$0x2]  }
0x5: {  	s3 =	rddreg [dreg:$0x3];
	s2 =	simm.s32 $0x0  }
0x6: {  	[smem:$0x7FF] =	sst s2  }
0x7: {  	s0 =	rddreg [dreg:$0x4];
	_ =	strace $0x80000047  }
0x8: {  	s7 =	srdreg.scid  }
0x9: {  	s8 =	sshll.u32 s1, $0x1;
	s11 =	simm.s32 $0x10000;
	s12 =	simm.s32 $0x2  }
0xa: {  	s13 =	simm.s32 $0x800;
	s14 =	simm.s32 $0x8000;
	s15 =	simm.s32 $0x1  }
0xb: {  	s16 =	simm.s32 $0x10700;
	s17 =	simm.s32 $0x10800;
	s7 =	sand.u32 $0x1, s7  }
0xc: {  	s18 =	simm.s32 $0x10900;
	s19 =	simm.s32 $0x0;
	s8 =	sor.u32 s7, s8  }
0xd: {  	s7 =	ssub.s32 $0x2, s7;
	s9 =	sshll.u32 s8, $0x5;
	s8 =	sshll.u32 s8, $0x8  }
0xe: {  	s31 =	sshrl.u32 s7, $0x1;
	s10 =	sadd.s32 s9, s3;
	s3 =	sadd.s32 s6, s8  }
0xf: {  	s4 =	sadd.s32 s4, s9;
	s5 =	sadd.s32 s5, s9;
	s8 =	sadd.s32 s8, s6  }
0x10: {  	s9 =	ssub.s32 s7, s31;
	s6 =	sadd.s32 $0x800, s10;
	s7 =	sadd.s32 $0x100000, s8  }
0x11: {  	v0 =	vimm.f32 $1.000000000e+00;
	v1 =	vlaneseq.u32;
	s8 =	smax.u32 s9, $0x1;
	s9 =	simm.s32 $0x100;
	s10 =	simm.s32 $0x400  }
.LBB2_2:
0x12: {  	[tilespmem:s11], [sflag:$0x2] =	stream.strided.gather [hbm4b:s7+s9], $0x200, s10, s9, $0x38;
	[tilespmem:$0x10A00] =	vst v63  }
0x13: {  	_ =	swait.ge [sflag:s12], $0x200  }
0x14: {  	[sflag:s12] =	ssyncset.done $0x0  }
0x15: {  	[sflag:s12] =	ssyncadd.s32 $0xFFFFFE00  }
0x16: {  	[tilespmem:$0x10200] =	vst v0  }
0x17: {  	[tilespmem:$0x10210] =	vst v0  }
0x18: {  	[tilespmem:$0x10220] =	vst v0  }
0x19: {  	[tilespmem:$0x10230] =	vst v0  }
0x1a: {  	[tilespmem:$0x10240] =	vst v0  }
0x1b: {  	[tilespmem:$0x10250] =	vst v0  }
0x1c: {  	[tilespmem:$0x10260] =	vst v0  }
0x1d: {  	[tilespmem:$0x10270] =	vst v0  }
0x1e: {  	[tilespmem:$0x10280] =	vst v0  }
0x1f: {  	[tilespmem:$0x10290] =	vst v0  }
0x20: {  	[tilespmem:$0x102A0] =	vst v0  }
0x21: {  	[tilespmem:$0x102B0] =	vst v0  }
0x22: {  	[tilespmem:$0x102C0] =	vst v0  }
0x23: {  	[tilespmem:$0x102D0] =	vst v0  }
0x24: {  	[tilespmem:$0x102E0] =	vst v0  }
0x25: {  	[tilespmem:$0x102F0] =	vst v0  }
0x26: {  	[tilespmem:$0x10300] =	vst v0  }
0x27: {  	[tilespmem:$0x10310] =	vst v0  }
0x28: {  	[tilespmem:$0x10320] =	vst v0  }
0x29: {  	[tilespmem:$0x10330] =	vst v0  }
0x2a: {  	[tilespmem:$0x10340] =	vst v0  }
0x2b: {  	[tilespmem:$0x10350] =	vst v0  }
0x2c: {  	[tilespmem:$0x10360] =	vst v0  }
0x2d: {  	[tilespmem:$0x10370] =	vst v0  }
0x2e: {  	[tilespmem:$0x10380] =	vst v0  }
0x2f: {  	[tilespmem:$0x10390] =	vst v0  }
0x30: {  	[tilespmem:$0x103A0] =	vst v0  }
0x31: {  	[tilespmem:$0x103B0] =	vst v0  }
0x32: {  	[tilespmem:$0x103C0] =	vst v0  }
0x33: {  	[tilespmem:$0x103D0] =	vst v0  }
0x34: {  	[tilespmem:$0x103E0] =	vst v0  }
0x35: {  	[tilespmem:$0x103F0] =	vst v0  }
0x36: {  	[tilespmem:$0x10400] =	vst v0  }
0x37: {  	[tilespmem:$0x10410] =	vst v0  }
0x38: {  	[tilespmem:$0x10420] =	vst v0  }
0x39: {  	[tilespmem:$0x10430] =	vst v0  }
0x3a: {  	[tilespmem:$0x10440] =	vst v0  }
0x3b: {  	[tilespmem:$0x10450] =	vst v0  }
0x3c: {  	[tilespmem:$0x10460] =	vst v0  }
0x3d: {  	[tilespmem:$0x10470] =	vst v0  }
0x3e: {  	[tilespmem:$0x10480] =	vst v0  }
0x3f: {  	[tilespmem:$0x10490] =	vst v0  }
0x40: {  	[tilespmem:$0x104A0] =	vst v0  }
0x41: {  	[tilespmem:$0x104B0] =	vst v0  }
0x42: {  	[tilespmem:$0x104C0] =	vst v0  }
0x43: {  	[tilespmem:$0x104D0] =	vst v0  }
0x44: {  	[tilespmem:$0x104E0] =	vst v0  }
0x45: {  	[tilespmem:$0x104F0] =	vst v0  }
0x46: {  	[tilespmem:$0x10500] =	vst v0  }
0x47: {  	[tilespmem:$0x10510] =	vst v0  }
0x48: {  	[tilespmem:$0x10520] =	vst v0  }
0x49: {  	[tilespmem:$0x10530] =	vst v0  }
0x4a: {  	[tilespmem:$0x10540] =	vst v0  }
0x4b: {  	[tilespmem:$0x10550] =	vst v0  }
0x4c: {  	[tilespmem:$0x10560] =	vst v0  }
0x4d: {  	[tilespmem:$0x10570] =	vst v0  }
0x4e: {  	[tilespmem:$0x10580] =	vst v0  }
0x4f: {  	[tilespmem:$0x10590] =	vst v0  }
0x50: {  	[tilespmem:$0x105A0] =	vst v0  }
0x51: {  	[tilespmem:$0x105B0] =	vst v0  }
0x52: {  	[tilespmem:$0x105C0] =	vst v0  }
0x53: {  	[tilespmem:$0x105D0] =	vst v0  }
0x54: {  	[tilespmem:$0x105E0] =	vst v0  }
0x55: {  	[tilespmem:$0x105F0] =	vst v0  }
0x56: {  	[tilespmem:$0x10600] =	vst v0  }
0x57: {  	[tilespmem:$0x10610] =	vst v0  }
0x58: {  	[tilespmem:$0x10620] =	vst v0  }
0x59: {  	[tilespmem:$0x10630] =	vst v0  }
0x5a: {  	[tilespmem:$0x10640] =	vst v0  }
0x5b: {  	[tilespmem:$0x10650] =	vst v0  }
0x5c: {  	[tilespmem:$0x10660] =	vst v0  }
0x5d: {  	[tilespmem:$0x10670] =	vst v0  }
0x5e: {  	[tilespmem:$0x10680] =	vst v0  }
0x5f: {  	[tilespmem:$0x10690] =	vst v0  }
0x60: {  	[tilespmem:$0x106A0] =	vst v0  }
0x61: {  	[tilespmem:$0x106B0] =	vst v0  }
0x62: {  	[tilespmem:$0x106C0] =	vst v0  }
0x63: {  	[tilespmem:$0x106D0] =	vst v0  }
0x64: {  	[tilespmem:$0x106E0] =	vst v0  }
0x65: {  	s20 =	simm.s32 $0x0;
	p0 =	por $0x0, $0x0;
	[tilespmem:$0x106F0] =	vst v0  }
0x66: {  	[tilespmem:s20], [sflag:$0x1] =	stream.strided.gather [hbm4b:s3+s13], $0x8000, s14, s13, $0x38;
	[tilespmem:$0x10A00] =	vst v63  }
.LBB2_3:
0x67: {  	s21 =	simm.s32 $0x1;
	p1 =	seq.s32 s20, $0xF  }
0x68: {  	_ =	swait.ge [sflag:s15], $0x8000;
	s23 =	sshll.u32 s20, $0x7;
	s21 =	simm.s32 @!p0 $0x0  }
0x69: {  	s22 =	sadd.s32 @!p1 $0x1, s20;
	[sflag:s15] =	ssyncset.done $0x0;
	s25 =	simm.s32 @!p1 $0x800  }
0x6a: {  	s26 =	simm.s32 @!p1 $0x8000;
	s31 =	sand.u32 $0x80, s23;
	s21 =	sshll.u32 s21, $0x11  }
0x6b: {  	s24 =	sshll.u32 @!p1 s22, $0xF;
	[sflag:s15] =	ssyncadd.s32 $0xFFFF8000;
	s22 =	sshll.u32 @!p1 s22, $0x10  }
0x6c: {  	s24 =	sand.u32 @!p1 $0x8000, s24;
	s22 =	sadd.s32 @!p1 s22, s3;
	s21 =	sshrl.u32 s21, $0x2  }
0x6d: {  	v2 =	vmov s20;
	[tilespmem:s24], [sflag:$0x1] =	stream.strided.gather @!p1 [hbm4b:s22+s25], $0x8000, s26, s25, $0x38;
	[tilespmem:$0x10A00] =	vst v63  }
0x6e: {  	v3 =	vshll.u32 v2, $0x4;
	s23 =	simm.s32 $0x0;
	v4 =	vmov s31;
	s21 =	sadd.s32 $0x200, s21;
	s22 =	simm.s32 $0x0  }
.LBB2_4:
0x6f: {  	s25 =	sshll.u32 s23, $0x4;
	s24 =	sshll.u32 s23, $0x5  }
0x70: {  	s26 =	sshll.u32 s23, $0x9;
	s28 =	sand.u32 $0x70, s25;
	s24 =	sand.u32 $0x3FFFFF00, s24  }
0x71: {  	s29 =	sand.u32 $0x7, s22;
	s24 =	sor.u32 s28, s24;
	s28 =	smul.u32 $0x140, s23  }
0x72: {  	s26 =	sand.u32 $0xFFFFF000, s26;
	s29 =	sshll.u32 s29, $0x6;
	s30 =	sadd.s32 $0x10000, s24;
	v5 =	vld [tilespmem:s24+$0x10000]  }
0x73: {  	s26 =	sor.u32 s29, s26;
	v6 =	vld [tilespmem:s30+$0x80];
	s24 =	sshra.s32 s28, $0x2  }
0x74: {  	s26 =	sshrl.u32 s26, $0x2;
	v7 =	vld [tilespmem:s24+$0x10200]  }
0x75: {  	s26 =	sadd.s32 s26, s21;
	v8 =	vld [tilespmem:s24+$0x10210]  }
0x76: {  	v9 =	vld [tilespmem:s26+$0xFFFFFE00]  }
0x77: {  	v10 =	vld [tilespmem:s26+$0xFFFFFE80]  }
0x78: {  	v12 =	vld [tilespmem:s26+$0xFFFFFF00]  }
0x79: {  	v14 =	vld [tilespmem:s26+$0xFFFFFF80]  }
0x7a: {  	v15 =	vld [tilespmem:s26+$0x0]  }
0x7b: {  	v18 =	vld [tilespmem:s26+$0x80]  }
0x7c: {  	v19 =	vld [tilespmem:s26+$0x100]  }
0x7d: {  	v20 =	vld [tilespmem:s26+$0x180];
	s29 =	sadd.s32 $0x800, s26  }
0x7e: {  	v13 =	vld [tilespmem:s29+$0xFFFFFE00]  }
0x7f: {  	v16 =	vld [tilespmem:s29+$0xFFFFFE80]  }
0x80: {  	v17 =	vld [tilespmem:s29+$0xFFFFFF00];
	v5 =	vtrunc.f32 v5;
	v6 =	vtrunc.f32 v6  }
0x81: {  	v11 =	vld [tilespmem:s29+$0xFFFFFF80];
	v21 =	vmul.f32 v10, v9;
	v22 =	vmul.f32 v14, v12  }
0x82: {  	v12 =	vld [tilespmem:s29+$0x0];
	v18 =	vmul.f32 v18, v15;
	v20 =	vmul.f32 v20, v19  }
0x83: {  	v5 =	vcvt.f32.s32 v5;
	v6 =	vcvt.f32.s32 v6;
	v14 =	vld [tilespmem:s29+$0x80]  }
0x84: {  	s28 =	simm.s32 $0x0;
	v15 =	vld [tilespmem:s29+$0x100];
	v19 =	vmul.f32 v22, v21;
	v20 =	vmul.f32 v20, v18  }
0x85: {  	s30 =	simm.s32 $0x2;
	s26 =	simm.s32 $0x1;
	v10 =	vshrl.u32 v5, $0x3;
	v9 =	vshrl.u32 v6, $0x3;
	v18 =	vld [tilespmem:s29+$0x180];
	s29 =	sadd.s32 $0x800, s29  }
.LBB2_5:
0x86: {  	v21 =	vld [tilespmem:s29+$0xFFFFFE00];
	p1 =	sne.s32 s30, $0xF;
	v19 =	vmul.f32 v20, v19;
	v20 =	vadd.s32 s28, v3;
	s28 =	smov.u32 s26;
	s26 =	smov.u32 s30  }
0x87: {  	v22 =	vld [tilespmem:s29+$0xFFFFFE80];
	vm0 =	vlt.u32 v20, v9;
	vm1 =	vlt.u32 v20, v10  }
0x88: {  	v16 =	vmul.f32 v16, v13;
	v23 =	vld [tilespmem:s29+$0xFFFFFF00];
	v13 =	vnsel vm0, $0x3F800000, v19;
	v19 =	vnsel vm1, $0x3F800000, v19  }
.Ltmp1:
0x89: {  	v17 =	vmul.f32 v11, v17;
	v11 =	vld [tilespmem:s29+$0xFFFFFF80];
	v8 =	vmul.f32 v19, v8;
	(pc) =	sbr.rel @p1 .LBB2_5-.Ltmp1, $4  }
0x8a: {  	v20 =	vmul.f32 v14, v12;
	v12 =	vld [tilespmem:s29+$0x0];
	v18 =	vmul.f32 v18, v15  }
0x8b: {  	v7 =	vmul.f32 v13, v7;
	v14 =	vld [tilespmem:s29+$0x80];
	v13 =	vmov v21  }
0x8c: {  	v19 =	vmul.f32 v17, v16;
	v15 =	vld [tilespmem:s29+$0x100];
	v20 =	vmul.f32 v18, v20;
	v16 =	vmov v22  }
0x8d: {  	s30 =	sadd.s32 $0x1, s30;
	v18 =	vld [tilespmem:s29+$0x180];
	s29 =	sadd.s32 $0x800, s29;
	v17 =	vmov v23  }
0x8e: {  	v21 =	vadd.s32 s28, v3;
	v19 =	vmul.f32 v20, v19  }
0x8f: {  	v13 =	vmul.f32 v16, v13;
	v11 =	vmul.f32 v11, v17;
	v32 =	vshrl.u32 v6, $0x7  }
0x90: {  	v33 =	vand.u32 $0x78, v6;
	v34 =	vmov s25;
	v35 =	vadd.s32 s26, v3  }
0x91: {  	v36 =	vor.u32 s25, v1;
	v6 =	vand.u32 $0x7, v6;
	v43 =	vshrl.u32 v5, $0x7  }
0x92: {  	v45 =	vand.u32 $0x78, v5;
	vm0 =	vlt.u32 v21, v9;
	vm1 =	vlt.u32 v21, v10  }
0x93: {  	vm9 =	vlt.u32 v35, v9;
	v37 =	vand.u32 $0x7F, v36;
	vm2 =	vlt.u32 v35, v10  }
0x94: {  	vm10 =	vne.s32 v6, $0x0;
	vm11 =	vgt.u32 v6, $0x1;
	vm3 =	vgt.u32 v6, $0x2  }
0x95: {  	vm13 =	vgt.u32 v6, $0x3;
	vm14 =	vgt.u32 v6, $0x4;
	vm15 =	vgt.u32 v6, $0x5  }
0x96: {  	v29 =	vnsel vm1, $0x3F800000, v19;
	v12 =	vmul.f32 v14, v12;
	v30 =	vmul.f32 v18, v15  }
0x97: {  	v31 =	vnsel vm0, $0x3F800000, v19;
	v11 =	vmul.f32 v11, v13;
	vm1 =	veq.s32 v32, v2  }
0x98: {  	v40 =	vor.u32 $0x80, v37;
	v42 =	vor.u32 $0x180, v37;
	v12 =	vmul.f32 v30, v12  }
0x99: {  	vm0 =	veq.s32 v43, v2;
	v46 =	vor.u32 $0x200, v37;
	v13 =	vnsel vm1, $0x0, v33  }
0x9a: {  	v13 =	vor.u32 v4, v13;
	v11 =	vmul.f32 v12, v11;
	v12 =	vshll.u32 v34, $0x3  }
0x9b: {  	v8 =	vmul.f32 v29, v8;
	v13 =	vshll.u32 v13, $0x8;
	v12 =	vand.u32 $0x400, v12  }
0x9c: {  	v7 =	vmul.f32 v31, v7;
	v16 =	vnsel vm0, $0x0, v45;
	v13 =	vor.u32 v12, v13  }
0x9d: {  	v16 =	vor.u32 v4, v16;
	v38 =	vnsel vm9, $0x3F800000, v11;
	v39 =	vor.u32 v37, v13  }
0x9e: {  	v11 =	vnsel vm2, $0x3F800000, v11;
	v7 =	vmul.f32 v38, v7;
	v41 =	vor.u32 v13, v40  }
0x9f: {  	v16 =	vshll.u32 v16, $0x8;
	v8 =	vmul.f32 v11, v8;
	v44 =	vor.u32 v13, v42  }
0xa0: {  	vm4 =	veq.s32 v6, $0x7;
	v16 =	vor.u32 v12, v16;
	v47 =	vor.u32 v13, v46;
	[tilespmem:s24+$0x10200] =	vst v7  }
0xa1: {  	v6 =	vand.u32 $0x7, v5;
	v15 =	vor.u32 $0x100, v37;
	v22 =	vor.u32 v37, v16;
	[tilespmem:s24+$0x10210] =	vst v8  }
0xa2: {  	v5 =	vand.u32 $0x7F, v5;
	v48 =	vor.u32 $0x280, v37;
	v7 =	vor.u32 v13, v15;
	v8 =	vld.idx.msk [tilespmem:v39+s2+$0x0], $0xffff  }
0xa3: {  	v52 =	vor.u32 $0x300, v37;
	vm7 =	vne.s32 v6, $0x0;
	v10 =	vor.u32 v16, v40;
	v11 =	vld.idx.msk [tilespmem:v41+s2+$0x0], $0xffff  }
0xa4: {  	vm8 =	vgt.u32 v6, $0x1;
	vm12 =	vmand vm1, vm3;
	v49 =	vor.u32 v13, v48;
	v17 =	vld.idx.msk [tilespmem:v44+s2+$0x0], $0xffff  }
0xa5: {  	vm3 =	vmand vm1, vm15;
	v5 =	vnsel vm0, $0x0, v5;
	v15 =	vor.u32 v16, v15;
	v50 =	vld.idx.msk [tilespmem:v47+s2+$0x0], $0xffff  }
0xa6: {  	vm15 =	veq.s32 v6, $0x7;
	v61 =	vor.u32 v4, v5;
	v5 =	vshll.u32 v5, $0x7;
	v55 =	vld.idx.msk [tilespmem:v22+s2+$0x0], $0xffff  }
0xa7: {  	vm2 =	vmand vm1, vm10;
	vm9 =	vmand vm0, vm8;
	v14 =	vor.u32 v16, v42;
	v7 =	vld.idx.msk [tilespmem:v7+s2+$0x0], $0xffff  }
0xa8: {  	vm10 =	vgt.u32 v6, $0x2;
	v53 =	vor.u32 v13, v52;
	v18 =	vor.u32 v16, v46;
	v10 =	vld.idx.msk [tilespmem:v10+s2+$0x0], $0xffff  }
0xa9: {  	v20 =	vor.u32 v16, v48;
	v51 =	vld.idx.msk [tilespmem:v49+s2+$0x0], $0xffff;
	v8 =	vnsel vm2, $0x3F800000, v8;
	vm2 =	vmand vm1, vm11  }
0xaa: {  	v56 =	vor.u32 v16, v52;
	v15 =	vld.idx.msk [tilespmem:v15+s2+$0x0], $0xffff;
	v11 =	vnsel vm2, $0x3F800000, v11;
	vm2 =	vmand vm1, vm13  }
0xab: {  	v8 =	vmul.f32 v11, v8;
	v54 =	vnsel vm2, $0x3F800000, v17;
	vm2 =	vmand vm1, vm14  }
0xac: {  	v14 =	vld.idx.msk [tilespmem:v14+s2+$0x0], $0xffff;
	v7 =	vnsel vm12, $0x3F800000, v7;
	v11 =	vnsel vm2, $0x3F800000, v50;
	vm2 =	vmand vm0, vm7  }
0xad: {  	v10 =	vnsel vm9, $0x3F800000, v10;
	v7 =	vmul.f32 v7, v8;
	v8 =	vld.idx.msk [tilespmem:v53+s2+$0x0], $0xffff;
	v17 =	vnsel vm2, $0x3F800000, v55  }
0xae: {  	v5 =	vand.u32 $0x380, v5;
	v57 =	vld.idx.msk [tilespmem:v18+s2+$0x0], $0xffff;
	vm2 =	vmand vm0, vm10;
	v10 =	vmul.f32 v10, v17  }
0xaf: {  	v19 =	vnsel vm3, $0x3F800000, v51;
	vm11 =	vgt.u32 v6, $0x3;
	v58 =	vnsel vm2, $0x3F800000, v15  }
0xb0: {  	v59 =	vld.idx.msk [tilespmem:v20+s2+$0x0], $0xffff;
	vm13 =	vgt.u32 v6, $0x4;
	vm12 =	vmand vm0, vm11;
	v10 =	vmul.f32 v58, v10  }
0xb1: {  	vm1 =	vmand vm1, vm4;
	v14 =	vnsel vm12, $0x3F800000, v14;
	v7 =	vmul.f32 v54, v7  }
0xb2: {  	v13 =	vld.idx.msk [tilespmem:v56+s2+$0x0], $0xffff;
	v8 =	vnsel vm1, $0x3F800000, v8;
	v10 =	vmul.f32 v14, v10;
	vm1 =	vmand vm0, vm13  }
0xb3: {  	vm14 =	vgt.u32 v6, $0x5;
	v7 =	vmul.f32 v11, v7;
	v60 =	vnsel vm1, $0x3F800000, v57  }
0xb4: {  	v62 =	vld [tilespmem:s24+$0x10220];
	v14 =	vshll.u32 v61, $0x8;
	vm1 =	vmand vm0, vm14;
	v10 =	vmul.f32 v60, v10  }
0xb5: {  	v63 =	vld [tilespmem:s24+$0x10230];
	v7 =	vmul.f32 v19, v7;
	v6 =	vand.u32 $0xF800, v14;
	v11 =	vnsel vm1, $0x3F800000, v59  }
0xb6: {  	vm1 =	vmand vm0, vm15;
	v5 =	vor.u32 v6, v5;
	v10 =	vmul.f32 v11, v10  }
0xb7: {  	v6 =	vmul.f32 v8, v7;
	v7 =	vnsel vm1, $0x3F800000, v13;
	v5 =	vor.u32 v12, v5  }
0xb8: {  	v5 =	vor.u32 v37, v5;
	v7 =	vmul.f32 v7, v10  }
0xb9: {  	v6 =	vmul.f32 v6, v62  }
0xba: {  	v7 =	vmul.f32 v7, v63  }
0xbb: {  	[tilespmem:s24+$0x10220] =	vst v6  }
0xbc: {  	v6 =	vld [tilespmem:s24+$0x10240];
	[tilespmem:s24+$0x10230] =	vst v7  }
0xbd: {  	s23 =	sadd.s32 $0x1, s23;
	v5 =	vld.idx.msk [tilespmem:v5+s2+$0x0], $0xffff  }
0xbe: {  	p1 =	sne.s32 s23, $0x10  }
.Ltmp2:
0xbf: {  	_ = 	snop;
	(pc) =	sbr.rel @p1 .LBB2_4-.Ltmp2, $3  }
0xc0: {  	_ =	sdelay $0x1  }
0xc1: {  	v5 =	vsel vm0, v5, v6  }
0xc2: {  	s22 =	sadd.s32 $0x1, s22;
	[tilespmem:s24+$0x10240] =	vst v5  }
0xc3: {  	s20 =	sadd.s32 $0x1, s20  }
0xc4: {  	p1 =	sne.s32 s20, $0x10  }
.Ltmp3:
0xc5: {  	_ = 	snop;
	(pc) =	sbr.rel @p1 .LBB2_3-.Ltmp3, $2  }
0xc6: {  	_ =	sdelay $0x2  }
0xc7: {  	p0 =	por !p0, !p0  }
0xc8: {  	s20 =	simm.s32 $0x10220  }
0xc9: {  	v2 =	vld [tilespmem:s20+$0x0]  }
0xca: {  	v3 =	vld [tilespmem:s20+$0xFFFFFFE0]  }
0xcb: {  	s21 =	simm.s32 $0x0;
	s22 =	simm.s32 $0x40  }
.LBB2_9:
0xcc: {  	p0 =	sne.s32 s22, $0x3C0;
	_ =	sdelay $0x2  }
0xcd: {  	v2 =	vmul.f32 v2, v3  }
0xce: {  	s23 =	sshra.s32 s21, $0x2;
	s21 =	smov.u32 s22  }
0xcf: {  	[tilespmem:s23+$0x10700] =	vst v2  }
0xd0: {  	v2 =	vld [tilespmem:s20+$0xFFFFFFF0]  }
0xd1: {  	v3 =	vld [tilespmem:s20+$0x10];
	_ =	sdelay $0x4  }
0xd2: {  	v2 =	vmul.f32 v3, v2;
	_ =	sdelay $0x1  }
0xd3: {  	[tilespmem:s23+$0x10800] =	vst v2  }
0xd4: {  	v2 =	vld [tilespmem:s20+$0x20];
	_ =	sdelay $0x3  }
.Ltmp4:
0xd5: {  	(pc) =	sbr.rel @p0 .LBB2_9-.Ltmp4, $4  }
0xd6: {  	s20 =	sadd.s32 $0x50, s20;
	[tilespmem:s23+$0x10900] =	vst v2  }
0xd7: {  	v2 =	vld [tilespmem:s20+$0x0]  }
0xd8: {  	v3 =	vld [tilespmem:s20+$0xFFFFFFE0]  }
0xd9: {  	s22 =	sadd.s32 $0x40, s22  }
0xda: {  	_ =	sdelay $0x2  }
0xdb: {  	v2 =	vmul.f32 v2, v3  }
0xdc: {  	s21 =	sshra.s32 s21, $0x2  }
0xdd: {  	[tilespmem:s21+$0x10700] =	vst v2  }
0xde: {  	v2 =	vld [tilespmem:s20+$0xFFFFFFF0]  }
0xdf: {  	v3 =	vld [tilespmem:s20+$0x10];
	_ =	sdelay $0x4  }
0xe0: {  	v2 =	vmul.f32 v3, v2;
	_ =	sdelay $0x1  }
0xe1: {  	[tilespmem:s21+$0x10800] =	vst v2  }
0xe2: {  	v2 =	vld [tilespmem:s20+$0x20];
	_ =	sdelay $0x4  }
0xe3: {  	[tilespmem:s21+$0x10900] =	vst v2  }
0xe4: {  	[hbm4b:s4+s2] =	stream.linear.scatter [tilespmem:s16], [sflag:$0x2], $0x100, $0x38;
	[tilespmem:$0x10A00] =	vst v63  }
0xe5: {  	_ =	swait.ge [sflag:s12], $0x100  }
0xe6: {  	[sflag:s12] =	ssyncset.done $0x0  }
0xe7: {  	[sflag:s12] =	ssyncadd.s32 $0xFFFFFF00  }
0xe8: {  	[hbm4b:s5+s2] =	stream.linear.scatter [tilespmem:s17], [sflag:$0x2], $0x100, $0x38;
	[tilespmem:$0x10A00] =	vst v63  }
0xe9: {  	s19 =	sadd.s32 $0x1, s19;
	_ =	swait.ge [sflag:s12], $0x100  }
0xea: {  	p0 =	sne.s32 s19, s8;
	[sflag:s12] =	ssyncset.done $0x0  }
.Ltmp5:
0xeb: {  	[sflag:s12] =	ssyncadd.s32 $0xFFFFFF00;
	(pc) =	sbr.rel @p0 .LBB2_2-.Ltmp5, $4  }
0xec: {  	[hbm4b:s6+s2] =	stream.linear.scatter [tilespmem:s18], [sflag:$0x2], $0x100, $0x38;
	[tilespmem:$0x10A00] =	vst v63  }
0xed: {  	_ =	swait.ge [sflag:s12], $0x100  }
0xee: {  	[sflag:s12] =	ssyncset.done $0x0  }
0xef: {  	[sflag:s12] =	ssyncadd.s32 $0xFFFFFF00  }
.LBB2_11:
0xf0: {  	_ =	sfence.sel $0x180000  }
0xf1: {  	[bflag:$0x0] =	sbarrier.arrive $0xFFFF  }
0xf2: {  	p0 =	sne.s32 s1, $0x0;
	_ =	strace $0x90000047  }
0xf3: {  	s0 =	sadd.s32 @!p0 $0x100000, s0;
	[bflag:$0x2] =	sbarrier.arrive $0xFFFF  }
0xf4: {  	[sflag:s0] =	ssyncadd.tile.s32 @!p0 $0x1;
	_ =	shalt  }
.Lfunc_end2:
_tile_overlayer_lowered:
.L_overlay_start_2:
0xf5: {  	(tag) =	ssettag $0x2  }
0xf6: {  	s0 =	rddreg [dreg:$0x0];
	s2 =	stileid.u32  }
0xf7: {  	s1 =	rddreg [dreg:$0x1];
	p0 =	sne.s32 s2, $0x0  }
0xf8: {  	s3 =	rddreg [dreg:$0x2];
	[bflag:$0x3] =	sbarrier.arrive $0xFFFF;
	s2 =	simm.s32 @!p0 $0x1C02  }
0xf9: {  	[timem:s3], [sflag:s2] =	dma.local @!p0 [hbm:s0], s1  }
0xfa: {  	s0 =	simm.s32 @!p0 $0x2  }
0xfb: {  	_ =	swait.ge @!p0 [sflag:s0], s1  }
0xfc: {  	s1 =	ssub.s32 @!p0 $0x0, s1;
	[sflag:s0] =	ssyncset.done @!p0 $0x0  }
0xfd: {  	[sflag:s0] =	ssyncadd.s32 @!p0 s1  }
0xfe: {  	[bflag:$0x3] =	sbarrier.arrive $0xFFFF  }
0xff: {  	_ =	shalt  }

</sc_bundles>
